<compile_context>
chip_gen: v7x
topology: tpu7x:2x2x1
jax: 0.10.2.dev20260603
libtpu: 0.0.44.dev20260713+nightly
codegen_flags: <defaults>
</compile_context>

<pallas_src>
import dataclasses
import functools
import jax
import jax.numpy as jnp
from jax import lax
from jax.experimental import pallas as pl
from jax.experimental.pallas import tpu as pltpu
from jax.experimental.pallas import tpu_sc as plsc

NC, NS, LANES = 2, 16, 16
NW = NC * NS
CHK = 128
RC = 400

_MESH = dict(core_axis_name="c", subcore_axis_name="s", num_cores=NC,
             num_subcores=NS)

_SC_PARAMS = dataclasses.replace(pltpu.CompilerParams(),
                                 needs_layout_passes=False,
                                 use_tc_tiling_on_sc=False)
_SC_TILED_PARAMS = dataclasses.replace(pltpu.CompilerParams(),
                                       needs_layout_passes=False)


def _sc_deg(dst3, ew3, zero16, n_nodes, tpc):

    @functools.partial(
        pl.kernel,
        out_type=jax.ShapeDtypeStruct((NC, n_nodes, LANES), jnp.float32),
        mesh=plsc.VectorSubcoreMesh(**_MESH),
        compiler_params=_SC_PARAMS,
        scratch_types=[
            pltpu.VMEM_SHARED((n_nodes, LANES), jnp.float32),
            pltpu.VMEM((tpc, CHK), jnp.int32),
            pltpu.VMEM((tpc, CHK), jnp.float32),
            pltpu.VMEM((CHK, LANES), jnp.float32),
            pltpu.VMEM((CHK, LANES), jnp.float32),
            pltpu.SemaphoreType.DMA,
            pltpu.SemaphoreType.DMA,
            pltpu.SemaphoreType.DMA,
        ],
    )
    def deg_kernel(dst3_hbm, ew3_hbm, zero_hbm, degp_hbm, shared, didx2, ewf,
                   rows0, rows1, sem, s0, s1):
        cid = lax.axis_index("c")
        sid = lax.axis_index("s")
        wid = sid * NC + cid
        n_rchunks = n_nodes // RC
        rows = (rows0, rows1)
        ssems = (s0, s1)

        cd = pltpu.async_copy(dst3_hbm.at[wid], didx2, s0)
        ce = pltpu.async_copy(ew3_hbm.at[wid], ewf, s1)

        @pl.loop(sid, n_rchunks, step=NS)
        def _(rc):
            r0 = pl.multiple_of(rc * RC, RC)
            pltpu.async_copy(zero_hbm.at[pl.ds(r0, RC)],
                             shared.at[pl.ds(r0, RC)], sem).wait()

        pltpu.async_copy(zero_hbm.at[pl.ds(0, CHK)], rows0, sem).wait()
        pltpu.async_copy(zero_hbm.at[pl.ds(0, CHK)], rows1, sem).wait()
        cd.wait()
        ce.wait()
        plsc.subcore_barrier()

        iota16 = lax.broadcasted_iota(jnp.int32, (LANES,), 0)
        lane0 = jnp.zeros((LANES,), jnp.int32)

        @pl.loop(0, tpc // 2)
        def _(k):
            for b in range(2):
                ci = k * 2 + b

                def wait_prev(b=b, ci=ci):
                    pltpu.make_async_copy(
                        rows[b], shared.at[didx2.at[ci]], ssems[b]).wait()

                pl.when(k >= 1)(wait_prev)

                for grp in range(CHK // LANES):
                    ew16 = ewf[ci, pl.ds(grp * LANES, LANES)]
                    plsc.store_scatter(rows[b], [iota16 + grp * LANES, lane0],
                                       ew16)

                pltpu.async_copy(rows[b], shared.at[didx2.at[ci]], ssems[b],
                                 add=True)

        pltpu.make_async_copy(rows0, shared.at[didx2.at[tpc - 2]], s0).wait()
        pltpu.make_async_copy(rows1, shared.at[didx2.at[tpc - 1]], s1).wait()
        plsc.subcore_barrier()

        @pl.loop(sid, n_rchunks, step=NS)
        def _(rc):
            r0 = pl.multiple_of(rc * RC, RC)
            pltpu.async_copy(shared.at[pl.ds(r0, RC)],
                             degp_hbm.at[cid, pl.ds(r0, RC)], sem).wait()

    return deg_kernel(dst3, ew3, zero16)


def _sc_msgs(src_f, dst_f, ew_f, g, zero_d, n_nodes, d_out, tpc):
    n_vec = d_out // LANES

    @functools.partial(
        pl.kernel,
        out_type=jax.ShapeDtypeStruct((NC, n_nodes, d_out), jnp.float32),
        mesh=plsc.VectorSubcoreMesh(**_MESH),
        compiler_params=_SC_TILED_PARAMS,
        scratch_types=[
            pltpu.VMEM_SHARED((n_nodes, d_out), jnp.float32),
            pltpu.VMEM((CHK,), jnp.int32),
            pltpu.VMEM((CHK,), jnp.int32),
            pltpu.VMEM((CHK,), jnp.int32),
            pltpu.VMEM((CHK,), jnp.int32),
            pltpu.VMEM((CHK,), jnp.float32),
            pltpu.VMEM((CHK,), jnp.float32),
            pltpu.VMEM((CHK, d_out), jnp.float32),
            pltpu.VMEM((CHK, d_out), jnp.float32),
            pltpu.SemaphoreType.DMA,
            pltpu.SemaphoreType.DMA,
            pltpu.SemaphoreType.DMA,
            pltpu.SemaphoreType.DMA,
            pltpu.SemaphoreType.DMA,
            pltpu.SemaphoreType.DMA,
            pltpu.SemaphoreType.DMA,
            pltpu.SemaphoreType.DMA,
            pltpu.SemaphoreType.DMA,
        ],
    )
    def msg_kernel(src_hbm, dst_hbm, ew_hbm, g_hbm, zero_hbm, accp_hbm,
                   acc_sh, sidx0, sidx1, didx0, didx1, ewb0, ewb1,
                   rows0, rows1,
                   zsem, g0, g1, t0, t1, l0, l1, d0, d1):
        cid = lax.axis_index("c")
        sid = lax.axis_index("s")
        wid = sid * NC + cid
        n_rchunks = n_nodes // RC
        rows = (rows0, rows1)
        sidx = (sidx0, sidx1)
        didx = (didx0, didx1)
        ewb = (ewb0, ewb1)
        gs = (g0, g1)
        ts = (t0, t1)
        ls = (l0, l1)
        ds_ = (d0, d1)

        def base_of(ci):
            return pl.multiple_of((wid * tpc + ci) * CHK, CHK)

        def issue_loads(ci, b):
            base = base_of(ci)
            pltpu.async_copy(src_hbm.at[pl.ds(base, CHK)], sidx[b], ls[b])
            pltpu.async_copy(ew_hbm.at[pl.ds(base, CHK)], ewb[b], ls[b])

        def wait_loads(b):
            pltpu.make_async_copy(src_hbm.at[pl.ds(0, CHK)], sidx[b],
                                  ls[b]).wait()
            pltpu.make_async_copy(ew_hbm.at[pl.ds(0, CHK)], ewb[b],
                                  ls[b]).wait()

        def issue_didx(ci, b):
            pltpu.async_copy(dst_hbm.at[pl.ds(base_of(ci), CHK)], didx[b],
                             ds_[b])

        def wait_didx(b):
            pltpu.make_async_copy(dst_hbm.at[pl.ds(0, CHK)], didx[b],
                                  ds_[b]).wait()

        @pl.loop(sid, n_rchunks, step=NS)
        def _(rc):
            r0 = pl.multiple_of(rc * RC, RC)
            pltpu.async_copy(zero_hbm.at[pl.ds(r0, RC)],
                             acc_sh.at[pl.ds(r0, RC)], zsem).wait()

        issue_loads(0, 0)
        issue_loads(1, 1)
        issue_didx(0, 0)
        wait_loads(0)
        pltpu.async_copy(g_hbm.at[sidx0], rows0, g0)
        plsc.subcore_barrier()

        @pl.loop(0, tpc // 2)
        def _(k):
            for b in range(2):
                ci = k * 2 + b

                pltpu.make_async_copy(g_hbm.at[sidx[b]], rows[b],
                                      gs[b]).wait()

                def wait_scatter(b=b):
                    pltpu.make_async_copy(
                        rows[1 - b], acc_sh.at[didx[1 - b]], ts[1 - b]).wait()

                if b == 0:
                    pl.when(k >= 1)(wait_scatter)
                else:
                    wait_scatter()

                def issue_next_didx(b=b, ci=ci):
                    issue_didx(ci + 1, 1 - b)

                if b == 0:
                    issue_next_didx()
                else:
                    pl.when(k + 1 < tpc // 2)(issue_next_didx)

                def wait_idx(b=b):
                    wait_loads(1 - b)

                def issue_gather(b=b):
                    pltpu.async_copy(g_hbm.at[sidx[1 - b]], rows[1 - b],
                                     gs[1 - b])

                if b == 0:
                    wait_idx()
                    issue_gather()
                else:
                    def prep_next(b=b):
                        wait_idx(b)
                        issue_gather(b)

                    pl.when(k + 1 < tpc // 2)(prep_next)

                @plsc.parallel_loop(0, CHK, unroll=4)
                def _(e, b=b):
                    sp = plsc.load_gather(ewb[b],
                                          [lax.broadcast(e, (LANES,))])
                    for j in range(n_vec):
                        sl = pl.ds(j * LANES, LANES)
                        rows[b][e, sl] = rows[b][e, sl] * sp

                wait_didx(b)
                pltpu.async_copy(rows[b], acc_sh.at[didx[b]], ts[b],
                                 add=True)

                def issue_next_loads(b=b, ci=ci):
                    issue_loads(ci + 2, b)

                pl.when(ci + 2 < tpc)(issue_next_loads)

        pltpu.make_async_copy(rows1, acc_sh.at[didx1], t1).wait()
        plsc.subcore_barrier()

        @pl.loop(sid, n_rchunks, step=NS)
        def _(rc):
            r0 = pl.multiple_of(rc * RC, RC)
            pltpu.async_copy(acc_sh.at[pl.ds(r0, RC)],
                             accp_hbm.at[cid, pl.ds(r0, RC)], zsem).wait()

    return msg_kernel(src_f, dst_f, ew_f, g, zero_d)


def _tc_g(x, W, degp, block_n):
    n, d_in = x.shape
    d_out = W.shape[1]

    def body(x_ref, w_ref, degp_ref, g_ref):
        h = jnp.dot(x_ref[...], w_ref[...], preferred_element_type=jnp.float32)
        deg = degp_ref[0] + degp_ref[1] + 1.0
        dis = jnp.where(deg > 0, lax.rsqrt(jnp.maximum(deg, 1e-38)), 0.0)
        g_ref[...] = h * dis[:, 0:1]

    return pl.pallas_call(
        body,
        grid=(n // block_n,),
        in_specs=[
            pl.BlockSpec((block_n, d_in), lambda i: (i, 0)),
            pl.BlockSpec((d_in, d_out), lambda i: (0, 0)),
            pl.BlockSpec((NC, block_n, LANES), lambda i: (0, i, 0)),
        ],
        out_specs=pl.BlockSpec((block_n, d_out), lambda i: (i, 0)),
        out_shape=jax.ShapeDtypeStruct((n, d_out), jnp.float32),
    )(x, W, degp)


def _tc_out(accp, g, degp, b2d, block_n):
    n, d_out = g.shape

    def body(accp_ref, g_ref, degp_ref, b_ref, o_ref):
        s = accp_ref[0] + accp_ref[1] + g_ref[...]
        deg = degp_ref[0] + degp_ref[1] + 1.0
        dis = jnp.where(deg > 0, lax.rsqrt(jnp.maximum(deg, 1e-38)), 0.0)
        z = s * dis[:, 0:1] + b_ref[...]
        m = jnp.max(z, axis=-1, keepdims=True)
        lse = m + jnp.log(jnp.sum(jnp.exp(z - m), axis=-1, keepdims=True))
        o_ref[...] = z - lse

    return pl.pallas_call(
        body,
        grid=(n // block_n,),
        in_specs=[
            pl.BlockSpec((NC, block_n, d_out), lambda i: (0, i, 0)),
            pl.BlockSpec((block_n, d_out), lambda i: (i, 0)),
            pl.BlockSpec((NC, block_n, LANES), lambda i: (0, i, 0)),
            pl.BlockSpec((1, d_out), lambda i: (0, 0)),
        ],
        out_specs=pl.BlockSpec((block_n, d_out), lambda i: (i, 0)),
        out_shape=jax.ShapeDtypeStruct((n, d_out), jnp.float32),
    )(accp, g, degp, b2d)


@jax.jit
def kernel(x, edge_index, edge_weight, W, b):
    n_nodes, _ = x.shape
    d_out = W.shape[1]
    n_edges = edge_index.shape[1]
    src = edge_index[0].astype(jnp.int32)
    dst = edge_index[1].astype(jnp.int32)
    ew = edge_weight.astype(jnp.float32)

    grp = NW * CHK
    tpc = -(-n_edges // grp)
    tpc += tpc % 2
    pad = tpc * grp - n_edges
    spread = jnp.arange(pad, dtype=jnp.int32) % n_nodes
    src = jnp.concatenate([src, spread])
    dst = jnp.concatenate([dst, spread])
    ew = jnp.concatenate([ew, jnp.zeros((pad,), jnp.float32)])
    src3 = src.reshape(NW, tpc, CHK)
    dst3 = dst.reshape(NW, tpc, CHK)
    ew3 = ew.reshape(NW, tpc, CHK)

    zero16 = jnp.zeros((n_nodes, LANES), jnp.float32)
    zero_d = jnp.zeros((n_nodes, d_out), jnp.float32)

    degp = _sc_deg(dst3, ew3, zero16, n_nodes, tpc)
    g = _tc_g(x, W, degp, block_n=2000)
    accp = _sc_msgs(src, dst, ew, g, zero_d, n_nodes, d_out, tpc)
    return _tc_out(accp, g, degp, jnp.reshape(b, (1, d_out)), block_n=2000)

# --- scband reference (transcript-rebuilt; emitter-appended) ---
"""Pipeline reference for scband-gnn-60301340836075 (READ-ONLY COPY).

The authoritative reference and input builder live on the scoring server;
editing this copy changes nothing except your own understanding.
"""

import jax, jax.numpy as jnp
import numpy as np

N_NODES = 10000
N_EDGES = 320000
D_IN = 128
D_OUT = 128


def setup_inputs(seed: int = 0) -> dict:
    key = jax.random.key(seed)
    k1, k2, k3, k4, k5 = jax.random.split(key, 5)
    x = jax.random.normal(k1, (N_NODES, D_IN), dtype=jnp.float32)
    edge_index = jax.random.randint(k2, (2, N_EDGES), 0, N_NODES, dtype=jnp.int64)
    edge_weight = jax.random.uniform(k3, (N_EDGES,), dtype=jnp.float32)
    # GCNConv learned params (glorot weight, zero bias like torch_geometric default)
    limit = float(np.sqrt(6.0 / (D_IN + D_OUT)))
    W = jax.random.uniform(k4, (D_IN, D_OUT), minval=-limit, maxval=limit, dtype=jnp.float32)
    b = jnp.zeros((D_OUT,), dtype=jnp.float32)
    return {"x": x, "edge_index": edge_index, "edge_weight": edge_weight, "W": W, "b": b}


def reference(x, edge_index, edge_weight, W, b):
    # GCNConv with symmetric normalization and self-loops (fill_value=1.0),
    # followed by log_softmax over the feature dim.
    N = x.shape[0]
    src = edge_index[0]
    dst = edge_index[1]
    loop = jnp.arange(N, dtype=edge_index.dtype)
    src_full = jnp.concatenate([src, loop], axis=0)
    dst_full = jnp.concatenate([dst, loop], axis=0)
    ew_full = jnp.concatenate([edge_weight, jnp.ones((N,), dtype=edge_weight.dtype)], axis=0)
    # degree via scatter-add over destination nodes
    deg = jax.ops.segment_sum(ew_full, dst_full, num_segments=N)
    deg_inv_sqrt = jnp.where(deg > 0, jax.lax.rsqrt(jnp.maximum(deg, 1e-38)), 0.0)
    norm = deg_inv_sqrt[src_full] * ew_full * deg_inv_sqrt[dst_full]
    # linear transform, then gather messages from src and scatter-add to dst
    h = x @ W
    msgs = jnp.take(h, src_full, axis=0) * norm[:, None]
    out = jax.ops.segment_sum(msgs, dst_full, num_segments=N)
    out = out + b
    return jax.nn.log_softmax(out, axis=-1)

if __name__ == "__main__":
    import jax
    _d = setup_inputs()
    print(jax.jit(kernel)(*tuple(_d.values())))

</pallas_src>

<mosaic_0001>
#map = affine_map<(d0, d1) -> (0, 0, 0)>
#map1 = affine_map<(d0, d1) -> (0, 0)>
module attributes {stable_mosaic.version = 14 : i64} {
  func.func @deg_kernel(%arg0: i32, %arg1: i32, %arg2: memref<32x80x128xi32, #tpu.memory_space<hbm>>, %arg3: memref<32x80x128xf32, #tpu.memory_space<hbm>>, %arg4: memref<10000x16xf32, #tpu.memory_space<hbm>>, %arg5: memref<2x10000x16xf32, #tpu.memory_space<hbm>>, %arg6: memref<10000x16xf32, #tpu.memory_space<vmem_shared>>, %arg7: memref<80x128xi32, #tpu.memory_space<vmem>>, %arg8: memref<80x128xf32, #tpu.memory_space<vmem>>, %arg9: memref<128x16xf32, #tpu.memory_space<vmem>>, %arg10: memref<128x16xf32, #tpu.memory_space<vmem>>, %arg11: memref<!tpu.dma_semaphore, #tpu.memory_space<semaphore_mem>>, %arg12: memref<!tpu.dma_semaphore, #tpu.memory_space<semaphore_mem>>, %arg13: memref<!tpu.dma_semaphore, #tpu.memory_space<semaphore_mem>>) attributes {dimension_semantics = [#tpu.dimension_semantics<core_parallel>, #tpu.dimension_semantics<subcore_parallel>], iteration_bounds = array<i64: 2, 16>, scalar_prefetch = 0 : i64, scratch_operands = 8 : i64, tpu.core_type = #tpu.core_type<sc_vector_subcore>, window_params = [{transform_indices = #map}, {transform_indices = #map}, {transform_indices = #map1}, {transform_indices = #map}]} {
    %mul3A = arith.constant 2 : i32
    %mul3A_0 = arith.muli %arg1, %mul3A : i32
    %add3A = arith.addi %mul3A_0, %arg0 : i32
    %dma_start3A = arith.constant 0 : i32
    %dma_start3A_1 = arith.constant 0 : i32
    %dma_start3A_2 = tpu.memref_slice %arg2[%add3A, %dma_start3A, %dma_start3A_1] : memref<32x80x128xi32, #tpu.memory_space<hbm>> -> memref<1x80x128xi32, #tpu.memory_space<hbm>>
    %dma_start3A_3 = tpu.memref_squeeze %dma_start3A_2 : memref<1x80x128xi32, #tpu.memory_space<hbm>> -> memref<80x128xi32, #tpu.memory_space<hbm>>
    %dma_start3A_4 = arith.constant 0 : i32
    %dma_start3A_5 = arith.constant 0 : i32
    %dma_start3A_6 = tpu.memref_slice %arg2[%add3A, %dma_start3A_4, %dma_start3A_5] : memref<32x80x128xi32, #tpu.memory_space<hbm>> -> memref<1x80x128xi32, #tpu.memory_space<hbm>>
    %dma_start3A_7 = tpu.memref_squeeze %dma_start3A_6 : memref<1x80x128xi32, #tpu.memory_space<hbm>> -> memref<80x128xi32, #tpu.memory_space<hbm>>
    tpu.enqueue_dma source(%dma_start3A_7 : memref<80x128xi32, #tpu.memory_space<hbm>>) target(%arg7 : memref<80x128xi32, #tpu.memory_space<vmem>>) target_semaphore(%arg12 : memref<!tpu.dma_semaphore, #tpu.memory_space<semaphore_mem>>)
    %dma_start3A_8 = arith.constant 0 : i32
    %dma_start3A_9 = arith.constant 0 : i32
    %dma_start3A_10 = tpu.memref_slice %arg3[%add3A, %dma_start3A_8, %dma_start3A_9] : memref<32x80x128xf32, #tpu.memory_space<hbm>> -> memref<1x80x128xf32, #tpu.memory_space<hbm>>
    %dma_start3A_11 = tpu.memref_squeeze %dma_start3A_10 : memref<1x80x128xf32, #tpu.memory_space<hbm>> -> memref<80x128xf32, #tpu.memory_space<hbm>>
    %dma_start3A_12 = arith.constant 0 : i32
    %dma_start3A_13 = arith.constant 0 : i32
    %dma_start3A_14 = tpu.memref_slice %arg3[%add3A, %dma_start3A_12, %dma_start3A_13] : memref<32x80x128xf32, #tpu.memory_space<hbm>> -> memref<1x80x128xf32, #tpu.memory_space<hbm>>
    %dma_start3A_15 = tpu.memref_squeeze %dma_start3A_14 : memref<1x80x128xf32, #tpu.memory_space<hbm>> -> memref<80x128xf32, #tpu.memory_space<hbm>>
    tpu.enqueue_dma source(%dma_start3A_15 : memref<80x128xf32, #tpu.memory_space<hbm>>) target(%arg8 : memref<80x128xf32, #tpu.memory_space<vmem>>) target_semaphore(%arg13 : memref<!tpu.dma_semaphore, #tpu.memory_space<semaphore_mem>>)
    %sub3A = arith.constant 25 : i32
    %sub3A_16 = arith.subi %sub3A, %arg1 : i32
    %sub3A_17 = arith.constant 16 : i32
    %sub3A_18 = arith.constant 1 : i32
    %sub3A_19 = arith.subi %sub3A_17, %sub3A_18 : i32
    %add3A_20 = arith.addi %sub3A_16, %sub3A_19 : i32
    %div3A = arith.constant 16 : i32
    %div3A_21 = arith.divsi %add3A_20, %div3A : i32
    %while3A = arith.constant 16 : i32
    %while3A_22 = arith.constant 0 : i32
    %while3A_23 = arith.subi %div3A_21, %while3A_22 : i32
    %while3A_24 = arith.addi %while3A_22, %while3A_23 : i32
    %while3A_25 = arith.constant 1 : i32
    %while3A_26 = arith.divsi %while3A_23, %while3A_25 : i32
    %while3A_27 = arith.muli %while3A_26, %while3A_25 : i32
    %while3A_28 = arith.addi %while3A_22, %while3A_27 : i32
    %while3A_29 = arith.constant 1 : i32
    scf.for %while3A_108 = %while3A_22 to %while3A_28 step %while3A_29  : i32 {
      %mul3A_109 = arith.muli %while3A_108, %while3A : i32
      %add3A_110 = arith.addi %arg1, %mul3A_109 : i32
      %mul3A_111 = arith.constant 400 : i32
      %mul3A_112 = arith.muli %add3A_110, %mul3A_111 : i32
      %multiple_of3A = tpu.assume_multiple %mul3A_112, 400 : i32
      %dma_start3A_113 = arith.constant 0 : i32
      %dma_start3A_114 = tpu.memref_slice %arg6[%multiple_of3A, %dma_start3A_113] : memref<10000x16xf32, #tpu.memory_space<vmem_shared>> -> memref<400x16xf32, #tpu.memory_space<vmem_shared>>
      %dma_start3A_115 = arith.constant 0 : i32
      %dma_start3A_116 = tpu.memref_slice %arg4[%multiple_of3A, %dma_start3A_115] : memref<10000x16xf32, #tpu.memory_space<hbm>> -> memref<400x16xf32, #tpu.memory_space<hbm>>
      tpu.enqueue_dma source(%dma_start3A_116 : memref<400x16xf32, #tpu.memory_space<hbm>>) target(%dma_start3A_114 : memref<400x16xf32, #tpu.memory_space<vmem_shared>>) target_semaphore(%arg11 : memref<!tpu.dma_semaphore, #tpu.memory_space<semaphore_mem>>)
      %dma_wait3A_117 = arith.constant 0 : i32
      %dma_wait3A_118 = tpu.memref_slice %arg6[%multiple_of3A, %dma_wait3A_117] : memref<10000x16xf32, #tpu.memory_space<vmem_shared>> -> memref<400x16xf32, #tpu.memory_space<vmem_shared>>
      %dma_wait3A_119 = arith.constant 0 : i32
      %dma_wait3A_120 = tpu.memref_slice %arg4[%multiple_of3A, %dma_wait3A_119] : memref<10000x16xf32, #tpu.memory_space<hbm>> -> memref<400x16xf32, #tpu.memory_space<hbm>>
      tpu.wait_dma2 semaphore(%arg11 : memref<!tpu.dma_semaphore, #tpu.memory_space<semaphore_mem>>) src(%dma_wait3A_120 : memref<400x16xf32, #tpu.memory_space<hbm>>) dst(%dma_wait3A_118 : memref<400x16xf32, #tpu.memory_space<vmem_shared>>)
    }
    %while3A_30 = arith.constant 1 : i32
    scf.for %while3A_108 = %while3A_28 to %while3A_24 step %while3A_30  : i32 {
      %mul3A_109 = arith.muli %while3A_108, %while3A : i32
      %add3A_110 = arith.addi %arg1, %mul3A_109 : i32
      %mul3A_111 = arith.constant 400 : i32
      %mul3A_112 = arith.muli %add3A_110, %mul3A_111 : i32
      %multiple_of3A = tpu.assume_multiple %mul3A_112, 400 : i32
      %dma_start3A_113 = arith.constant 0 : i32
      %dma_start3A_114 = tpu.memref_slice %arg6[%multiple_of3A, %dma_start3A_113] : memref<10000x16xf32, #tpu.memory_space<vmem_shared>> -> memref<400x16xf32, #tpu.memory_space<vmem_shared>>
      %dma_start3A_115 = arith.constant 0 : i32
      %dma_start3A_116 = tpu.memref_slice %arg4[%multiple_of3A, %dma_start3A_115] : memref<10000x16xf32, #tpu.memory_space<hbm>> -> memref<400x16xf32, #tpu.memory_space<hbm>>
      tpu.enqueue_dma source(%dma_start3A_116 : memref<400x16xf32, #tpu.memory_space<hbm>>) target(%dma_start3A_114 : memref<400x16xf32, #tpu.memory_space<vmem_shared>>) target_semaphore(%arg11 : memref<!tpu.dma_semaphore, #tpu.memory_space<semaphore_mem>>)
      %dma_wait3A_117 = arith.constant 0 : i32
      %dma_wait3A_118 = tpu.memref_slice %arg6[%multiple_of3A, %dma_wait3A_117] : memref<10000x16xf32, #tpu.memory_space<vmem_shared>> -> memref<400x16xf32, #tpu.memory_space<vmem_shared>>
      %dma_wait3A_119 = arith.constant 0 : i32
      %dma_wait3A_120 = tpu.memref_slice %arg4[%multiple_of3A, %dma_wait3A_119] : memref<10000x16xf32, #tpu.memory_space<hbm>> -> memref<400x16xf32, #tpu.memory_space<hbm>>
      tpu.wait_dma2 semaphore(%arg11 : memref<!tpu.dma_semaphore, #tpu.memory_space<semaphore_mem>>) src(%dma_wait3A_120 : memref<400x16xf32, #tpu.memory_space<hbm>>) dst(%dma_wait3A_118 : memref<400x16xf32, #tpu.memory_space<vmem_shared>>)
    }
    %dma_start3A_31 = arith.constant 0 : i32
    %dma_start3A_32 = arith.constant 0 : i32
    %dma_start3A_33 = tpu.memref_slice %arg4[%dma_start3A_31, %dma_start3A_32] : memref<10000x16xf32, #tpu.memory_space<hbm>> -> memref<128x16xf32, #tpu.memory_space<hbm>>
    %dma_start3A_34 = arith.constant 0 : i32
    %dma_start3A_35 = arith.constant 0 : i32
    %dma_start3A_36 = tpu.memref_slice %arg4[%dma_start3A_34, %dma_start3A_35] : memref<10000x16xf32, #tpu.memory_space<hbm>> -> memref<128x16xf32, #tpu.memory_space<hbm>>
    tpu.enqueue_dma source(%dma_start3A_36 : memref<128x16xf32, #tpu.memory_space<hbm>>) target(%arg9 : memref<128x16xf32, #tpu.memory_space<vmem>>) target_semaphore(%arg11 : memref<!tpu.dma_semaphore, #tpu.memory_space<semaphore_mem>>)
    %dma_wait3A = arith.constant 0 : i32
    %dma_wait3A_37 = arith.constant 0 : i32
    %dma_wait3A_38 = tpu.memref_slice %arg4[%dma_wait3A, %dma_wait3A_37] : memref<10000x16xf32, #tpu.memory_space<hbm>> -> memref<128x16xf32, #tpu.memory_space<hbm>>
    %dma_wait3A_39 = arith.constant 0 : i32
    %dma_wait3A_40 = arith.constant 0 : i32
    %dma_wait3A_41 = tpu.memref_slice %arg4[%dma_wait3A_39, %dma_wait3A_40] : memref<10000x16xf32, #tpu.memory_space<hbm>> -> memref<128x16xf32, #tpu.memory_space<hbm>>
    tpu.wait_dma2 semaphore(%arg11 : memref<!tpu.dma_semaphore, #tpu.memory_space<semaphore_mem>>) src(%dma_wait3A_41 : memref<128x16xf32, #tpu.memory_space<hbm>>) dst(%arg9 : memref<128x16xf32, #tpu.memory_space<vmem>>)
    %dma_start3A_42 = arith.constant 0 : i32
    %dma_start3A_43 = arith.constant 0 : i32
    %dma_start3A_44 = tpu.memref_slice %arg4[%dma_start3A_42, %dma_start3A_43] : memref<10000x16xf32, #tpu.memory_space<hbm>> -> memref<128x16xf32, #tpu.memory_space<hbm>>
    %dma_start3A_45 = arith.constant 0 : i32
    %dma_start3A_46 = arith.constant 0 : i32
    %dma_start3A_47 = tpu.memref_slice %arg4[%dma_start3A_45, %dma_start3A_46] : memref<10000x16xf32, #tpu.memory_space<hbm>> -> memref<128x16xf32, #tpu.memory_space<hbm>>
    tpu.enqueue_dma source(%dma_start3A_47 : memref<128x16xf32, #tpu.memory_space<hbm>>) target(%arg10 : memref<128x16xf32, #tpu.memory_space<vmem>>) target_semaphore(%arg11 : memref<!tpu.dma_semaphore, #tpu.memory_space<semaphore_mem>>)
    %dma_wait3A_48 = arith.constant 0 : i32
    %dma_wait3A_49 = arith.constant 0 : i32
    %dma_wait3A_50 = tpu.memref_slice %arg4[%dma_wait3A_48, %dma_wait3A_49] : memref<10000x16xf32, #tpu.memory_space<hbm>> -> memref<128x16xf32, #tpu.memory_space<hbm>>
    %dma_wait3A_51 = arith.constant 0 : i32
    %dma_wait3A_52 = arith.constant 0 : i32
    %dma_wait3A_53 = tpu.memref_slice %arg4[%dma_wait3A_51, %dma_wait3A_52] : memref<10000x16xf32, #tpu.memory_space<hbm>> -> memref<128x16xf32, #tpu.memory_space<hbm>>
    tpu.wait_dma2 semaphore(%arg11 : memref<!tpu.dma_semaphore, #tpu.memory_space<semaphore_mem>>) src(%dma_wait3A_53 : memref<128x16xf32, #tpu.memory_space<hbm>>) dst(%arg10 : memref<128x16xf32, #tpu.memory_space<vmem>>)
    %dma_wait3A_54 = arith.constant 0 : i32
    %dma_wait3A_55 = arith.constant 0 : i32
    %dma_wait3A_56 = tpu.memref_slice %arg2[%add3A, %dma_wait3A_54, %dma_wait3A_55] : memref<32x80x128xi32, #tpu.memory_space<hbm>> -> memref<1x80x128xi32, #tpu.memory_space<hbm>>
    %dma_wait3A_57 = tpu.memref_squeeze %dma_wait3A_56 : memref<1x80x128xi32, #tpu.memory_space<hbm>> -> memref<80x128xi32, #tpu.memory_space<hbm>>
    %dma_wait3A_58 = arith.constant 0 : i32
    %dma_wait3A_59 = arith.constant 0 : i32
    %dma_wait3A_60 = tpu.memref_slice %arg2[%add3A, %dma_wait3A_58, %dma_wait3A_59] : memref<32x80x128xi32, #tpu.memory_space<hbm>> -> memref<1x80x128xi32, #tpu.memory_space<hbm>>
    %dma_wait3A_61 = tpu.memref_squeeze %dma_wait3A_60 : memref<1x80x128xi32, #tpu.memory_space<hbm>> -> memref<80x128xi32, #tpu.memory_space<hbm>>
    tpu.wait_dma2 semaphore(%arg12 : memref<!tpu.dma_semaphore, #tpu.memory_space<semaphore_mem>>) src(%dma_wait3A_61 : memref<80x128xi32, #tpu.memory_space<hbm>>) dst(%arg7 : memref<80x128xi32, #tpu.memory_space<vmem>>)
    %dma_wait3A_62 = arith.constant 0 : i32
    %dma_wait3A_63 = arith.constant 0 : i32
    %dma_wait3A_64 = tpu.memref_slice %arg3[%add3A, %dma_wait3A_62, %dma_wait3A_63] : memref<32x80x128xf32, #tpu.memory_space<hbm>> -> memref<1x80x128xf32, #tpu.memory_space<hbm>>
    %dma_wait3A_65 = tpu.memref_squeeze %dma_wait3A_64 : memref<1x80x128xf32, #tpu.memory_space<hbm>> -> memref<80x128xf32, #tpu.memory_space<hbm>>
    %dma_wait3A_66 = arith.constant 0 : i32
    %dma_wait3A_67 = arith.constant 0 : i32
    %dma_wait3A_68 = tpu.memref_slice %arg3[%add3A, %dma_wait3A_66, %dma_wait3A_67] : memref<32x80x128xf32, #tpu.memory_space<hbm>> -> memref<1x80x128xf32, #tpu.memory_space<hbm>>
    %dma_wait3A_69 = tpu.memref_squeeze %dma_wait3A_68 : memref<1x80x128xf32, #tpu.memory_space<hbm>> -> memref<80x128xf32, #tpu.memory_space<hbm>>
    tpu.wait_dma2 semaphore(%arg13 : memref<!tpu.dma_semaphore, #tpu.memory_space<semaphore_mem>>) src(%dma_wait3A_69 : memref<80x128xf32, #tpu.memory_space<hbm>>) dst(%arg8 : memref<80x128xf32, #tpu.memory_space<vmem>>)
    %barrier3A = arith.constant 0 : index
    tpu.barrier barrier_id(%barrier3A)
    %iota3A = tpu.iota {dimensions = array<i32: 0>} : vector<16xi32>
    %broadcast_in_dim3A = arith.constant 0 : i32
    %broadcast_in_dim3A_70 = vector.broadcast %broadcast_in_dim3A : i32 to vector<16xi32>
    %scan3A = arith.constant 0 : i32
    %scan3A_71 = arith.constant 40 : i32
    %scan3A_72 = arith.addi %scan3A, %scan3A_71 : i32
    %scan3A_73 = arith.constant 1 : i32
    scf.for %scan3A_108 = %scan3A to %scan3A_72 step %scan3A_73  : i32 {
      %mul3A_109 = arith.constant 1 : i32
      %mul3A_110 = arith.muli %scan3A_108, %mul3A_109 : i32
      %add3A_111 = arith.constant 0 : i32
      %add3A_112 = arith.addi %add3A_111, %mul3A_110 : i32
      %mul3A_113 = arith.constant 2 : i32
      %mul3A_114 = arith.muli %add3A_112, %mul3A_113 : i32
      %add3A_115 = arith.constant 0 : i32
      %add3A_116 = arith.addi %mul3A_114, %add3A_115 : i32
      %ge3A = arith.constant 1 : i32
      %ge3A_117 = arith.cmpi sge, %add3A_112, %ge3A : i32
      %convert_element_type3A = arith.extui %ge3A_117 : i1 to i32
      %cond3A = arith.constant 0 : i32
      %cond3A_118 = arith.cmpi ne, %convert_element_type3A, %cond3A : i32
      scf.if %cond3A_118 {
        %dma_wait3A_235 = arith.constant 0 : i32
        %dma_wait3A_236 = tpu.memref_slice %arg7[%add3A_116, %dma_wait3A_235] : memref<80x128xi32, #tpu.memory_space<vmem>> -> memref<1x128xi32, #tpu.memory_space<vmem>>
        %dma_wait3A_237 = tpu.memref_squeeze %dma_wait3A_236 : memref<1x128xi32, #tpu.memory_space<vmem>> -> memref<128xi32, #tpu.memory_space<vmem>>
        %dma_wait3A_238 = arith.constant 0 : i32
        %dma_wait3A_239 = arith.constant 0 : i32
        %dma_wait3A_240 = tpu.memref_slice %arg6[%dma_wait3A_238, %dma_wait3A_239] : memref<10000x16xf32, #tpu.memory_space<vmem_shared>> -> memref<10000x16xf32, #tpu.memory_space<vmem_shared>>
        tpu.wait_indirect_dma semaphore(%arg12 : memref<!tpu.dma_semaphore, #tpu.memory_space<semaphore_mem>>) src(%arg9 : memref<128x16xf32, #tpu.memory_space<vmem>>) dst(%dma_wait3A_240 : memref<10000x16xf32, #tpu.memory_space<vmem_shared>>)
      } else {
      }
      %get3A = arith.index_cast %add3A_116 : i32 to index
      %get3A_119 = arith.constant 0 : index
      %get3A_120 = tpu.vector_load %arg8[%get3A, %get3A_119] {strides = array<i32>} : memref<80x128xf32, #tpu.memory_space<vmem>>, vector<16xf32>,
      %add3A_121 = arith.constant 0 : i32
      %add3A_122 = vector.broadcast %add3A_121 : i32 to vector<16xi32>
      %add3A_123 = arith.addi %iota3A, %add3A_122 : vector<16xi32>
      tpu.vector_store_idx %arg9[%add3A_123, %broadcast_in_dim3A_70], %get3A_120 : memref<128x16xf32, #tpu.memory_space<vmem>>[vector<16xi32>, vector<16xi32>], vector<16xf32>,
      %get3A_124 = arith.index_cast %add3A_116 : i32 to index
      %get3A_125 = arith.constant 16 : index
      %get3A_126 = tpu.vector_load %arg8[%get3A_124, %get3A_125] {strides = array<i32>} : memref<80x128xf32, #tpu.memory_space<vmem>>, vector<16xf32>,
      %add3A_127 = arith.constant 16 : i32
      %add3A_128 = vector.broadcast %add3A_127 : i32 to vector<16xi32>
      %add3A_129 = arith.addi %iota3A, %add3A_128 : vector<16xi32>
      tpu.vector_store_idx %arg9[%add3A_129, %broadcast_in_dim3A_70], %get3A_126 : memref<128x16xf32, #tpu.memory_space<vmem>>[vector<16xi32>, vector<16xi32>], vector<16xf32>,
      %get3A_130 = arith.index_cast %add3A_116 : i32 to index
      %get3A_131 = arith.constant 32 : index
      %get3A_132 = tpu.vector_load %arg8[%get3A_130, %get3A_131] {strides = array<i32>} : memref<80x128xf32, #tpu.memory_space<vmem>>, vector<16xf32>,
      %add3A_133 = arith.constant 32 : i32
      %add3A_134 = vector.broadcast %add3A_133 : i32 to vector<16xi32>
      %add3A_135 = arith.addi %iota3A, %add3A_134 : vector<16xi32>
      tpu.vector_store_idx %arg9[%add3A_135, %broadcast_in_dim3A_70], %get3A_132 : memref<128x16xf32, #tpu.memory_space<vmem>>[vector<16xi32>, vector<16xi32>], vector<16xf32>,
      %get3A_136 = arith.index_cast %add3A_116 : i32 to index
      %get3A_137 = arith.constant 48 : index
      %get3A_138 = tpu.vector_load %arg8[%get3A_136, %get3A_137] {strides = array<i32>} : memref<80x128xf32, #tpu.memory_space<vmem>>, vector<16xf32>,
      %add3A_139 = arith.constant 48 : i32
      %add3A_140 = vector.broadcast %add3A_139 : i32 to vector<16xi32>
      %add3A_141 = arith.addi %iota3A, %add3A_140 : vector<16xi32>
      tpu.vector_store_idx %arg9[%add3A_141, %broadcast_in_dim3A_70], %get3A_138 : memref<128x16xf32, #tpu.memory_space<vmem>>[vector<16xi32>, vector<16xi32>], vector<16xf32>,
      %get3A_142 = arith.index_cast %add3A_116 : i32 to index
      %get3A_143 = arith.constant 64 : index
      %get3A_144 = tpu.vector_load %arg8[%get3A_142, %get3A_143] {strides = array<i32>} : memref<80x128xf32, #tpu.memory_space<vmem>>, vector<16xf32>,
      %add3A_145 = arith.constant 64 : i32
      %add3A_146 = vector.broadcast %add3A_145 : i32 to vector<16xi32>
      %add3A_147 = arith.addi %iota3A, %add3A_146 : vector<16xi32>
      tpu.vector_store_idx %arg9[%add3A_147, %broadcast_in_dim3A_70], %get3A_144 : memref<128x16xf32, #tpu.memory_space<vmem>>[vector<16xi32>, vector<16xi32>], vector<16xf32>,
      %get3A_148 = arith.index_cast %add3A_116 : i32 to index
      %get3A_149 = arith.constant 80 : index
      %get3A_150 = tpu.vector_load %arg8[%get3A_148, %get3A_149] {strides = array<i32>} : memref<80x128xf32, #tpu.memory_space<vmem>>, vector<16xf32>,
      %add3A_151 = arith.constant 80 : i32
      %add3A_152 = vector.broadcast %add3A_151 : i32 to vector<16xi32>
      %add3A_153 = arith.addi %iota3A, %add3A_152 : vector<16xi32>
      tpu.vector_store_idx %arg9[%add3A_153, %broadcast_in_dim3A_70], %get3A_150 : memref<128x16xf32, #tpu.memory_space<vmem>>[vector<16xi32>, vector<16xi32>], vector<16xf32>,
      %get3A_154 = arith.index_cast %add3A_116 : i32 to index
      %get3A_155 = arith.constant 96 : index
      %get3A_156 = tpu.vector_load %arg8[%get3A_154, %get3A_155] {strides = array<i32>} : memref<80x128xf32, #tpu.memory_space<vmem>>, vector<16xf32>,
      %add3A_157 = arith.constant 96 : i32
      %add3A_158 = vector.broadcast %add3A_157 : i32 to vector<16xi32>
      %add3A_159 = arith.addi %iota3A, %add3A_158 : vector<16xi32>
      tpu.vector_store_idx %arg9[%add3A_159, %broadcast_in_dim3A_70], %get3A_156 : memref<128x16xf32, #tpu.memory_space<vmem>>[vector<16xi32>, vector<16xi32>], vector<16xf32>,
      %get3A_160 = arith.index_cast %add3A_116 : i32 to index
      %get3A_161 = arith.constant 112 : index
      %get3A_162 = tpu.vector_load %arg8[%get3A_160, %get3A_161] {strides = array<i32>} : memref<80x128xf32, #tpu.memory_space<vmem>>, vector<16xf32>,
      %add3A_163 = arith.constant 112 : i32
      %add3A_164 = vector.broadcast %add3A_163 : i32 to vector<16xi32>
      %add3A_165 = arith.addi %iota3A, %add3A_164 : vector<16xi32>
      tpu.vector_store_idx %arg9[%add3A_165, %broadcast_in_dim3A_70], %get3A_162 : memref<128x16xf32, #tpu.memory_space<vmem>>[vector<16xi32>, vector<16xi32>], vector<16xf32>,
      %dma_start3A_166 = arith.constant 0 : i32
      %dma_start3A_167 = tpu.memref_slice %arg7[%add3A_116, %dma_start3A_166] : memref<80x128xi32, #tpu.memory_space<vmem>> -> memref<1x128xi32, #tpu.memory_space<vmem>>
      %dma_start3A_168 = tpu.memref_squeeze %dma_start3A_167 : memref<1x128xi32, #tpu.memory_space<vmem>> -> memref<128xi32, #tpu.memory_space<vmem>>
      %dma_start3A_169 = arith.constant 0 : i32
      %dma_start3A_170 = arith.constant 0 : i32
      %dma_start3A_171 = tpu.memref_slice %arg6[%dma_start3A_169, %dma_start3A_170] : memref<10000x16xf32, #tpu.memory_space<vmem_shared>> -> memref<10000x16xf32, #tpu.memory_space<vmem_shared>>
      tpu.enqueue_indirect_dma source(%arg9 : memref<128x16xf32, #tpu.memory_space<vmem>>) target(%dma_start3A_171 : memref<10000x16xf32, #tpu.memory_space<vmem_shared>>) offsets(%dma_start3A_168 : memref<128xi32, #tpu.memory_space<vmem>>) semaphore(%arg12 : memref<!tpu.dma_semaphore, #tpu.memory_space<semaphore_mem>>) {add = true}
      %mul3A_172 = arith.constant 2 : i32
      %mul3A_173 = arith.muli %add3A_112, %mul3A_172 : i32
      %add3A_174 = arith.constant 1 : i32
      %add3A_175 = arith.addi %mul3A_173, %add3A_174 : i32
      %ge3A_176 = arith.constant 1 : i32
      %ge3A_177 = arith.cmpi sge, %add3A_112, %ge3A_176 : i32
      %convert_element_type3A_178 = arith.extui %ge3A_177 : i1 to i32
      %cond3A_179 = arith.constant 0 : i32
      %cond3A_180 = arith.cmpi ne, %convert_element_type3A_178, %cond3A_179 : i32
      scf.if %cond3A_180 {
        %dma_wait3A_235 = arith.constant 0 : i32
        %dma_wait3A_236 = tpu.memref_slice %arg7[%add3A_175, %dma_wait3A_235] : memref<80x128xi32, #tpu.memory_space<vmem>> -> memref<1x128xi32, #tpu.memory_space<vmem>>
        %dma_wait3A_237 = tpu.memref_squeeze %dma_wait3A_236 : memref<1x128xi32, #tpu.memory_space<vmem>> -> memref<128xi32, #tpu.memory_space<vmem>>
        %dma_wait3A_238 = arith.constant 0 : i32
        %dma_wait3A_239 = arith.constant 0 : i32
        %dma_wait3A_240 = tpu.memref_slice %arg6[%dma_wait3A_238, %dma_wait3A_239] : memref<10000x16xf32, #tpu.memory_space<vmem_shared>> -> memref<10000x16xf32, #tpu.memory_space<vmem_shared>>
        tpu.wait_indirect_dma semaphore(%arg13 : memref<!tpu.dma_semaphore, #tpu.memory_space<semaphore_mem>>) src(%arg10 : memref<128x16xf32, #tpu.memory_space<vmem>>) dst(%dma_wait3A_240 : memref<10000x16xf32, #tpu.memory_space<vmem_shared>>)
      } else {
      }
      %get3A_181 = arith.index_cast %add3A_175 : i32 to index
      %get3A_182 = arith.constant 0 : index
      %get3A_183 = tpu.vector_load %arg8[%get3A_181, %get3A_182] {strides = array<i32>} : memref<80x128xf32, #tpu.memory_space<vmem>>, vector<16xf32>,
      %add3A_184 = arith.constant 0 : i32
      %add3A_185 = vector.broadcast %add3A_184 : i32 to vector<16xi32>
      %add3A_186 = arith.addi %iota3A, %add3A_185 : vector<16xi32>
      tpu.vector_store_idx %arg10[%add3A_186, %broadcast_in_dim3A_70], %get3A_183 : memref<128x16xf32, #tpu.memory_space<vmem>>[vector<16xi32>, vector<16xi32>], vector<16xf32>,
      %get3A_187 = arith.index_cast %add3A_175 : i32 to index
      %get3A_188 = arith.constant 16 : index
      %get3A_189 = tpu.vector_load %arg8[%get3A_187, %get3A_188] {strides = array<i32>} : memref<80x128xf32, #tpu.memory_space<vmem>>, vector<16xf32>,
      %add3A_190 = arith.constant 16 : i32
      %add3A_191 = vector.broadcast %add3A_190 : i32 to vector<16xi32>
      %add3A_192 = arith.addi %iota3A, %add3A_191 : vector<16xi32>
      tpu.vector_store_idx %arg10[%add3A_192, %broadcast_in_dim3A_70], %get3A_189 : memref<128x16xf32, #tpu.memory_space<vmem>>[vector<16xi32>, vector<16xi32>], vector<16xf32>,
      %get3A_193 = arith.index_cast %add3A_175 : i32 to index
      %get3A_194 = arith.constant 32 : index
      %get3A_195 = tpu.vector_load %arg8[%get3A_193, %get3A_194] {strides = array<i32>} : memref<80x128xf32, #tpu.memory_space<vmem>>, vector<16xf32>,
      %add3A_196 = arith.constant 32 : i32
      %add3A_197 = vector.broadcast %add3A_196 : i32 to vector<16xi32>
      %add3A_198 = arith.addi %iota3A, %add3A_197 : vector<16xi32>
      tpu.vector_store_idx %arg10[%add3A_198, %broadcast_in_dim3A_70], %get3A_195 : memref<128x16xf32, #tpu.memory_space<vmem>>[vector<16xi32>, vector<16xi32>], vector<16xf32>,
      %get3A_199 = arith.index_cast %add3A_175 : i32 to index
      %get3A_200 = arith.constant 48 : index
      %get3A_201 = tpu.vector_load %arg8[%get3A_199, %get3A_200] {strides = array<i32>} : memref<80x128xf32, #tpu.memory_space<vmem>>, vector<16xf32>,
      %add3A_202 = arith.constant 48 : i32
      %add3A_203 = vector.broadcast %add3A_202 : i32 to vector<16xi32>
      %add3A_204 = arith.addi %iota3A, %add3A_203 : vector<16xi32>
      tpu.vector_store_idx %arg10[%add3A_204, %broadcast_in_dim3A_70], %get3A_201 : memref<128x16xf32, #tpu.memory_space<vmem>>[vector<16xi32>, vector<16xi32>], vector<16xf32>,
      %get3A_205 = arith.index_cast %add3A_175 : i32 to index
      %get3A_206 = arith.constant 64 : index
      %get3A_207 = tpu.vector_load %arg8[%get3A_205, %get3A_206] {strides = array<i32>} : memref<80x128xf32, #tpu.memory_space<vmem>>, vector<16xf32>,
      %add3A_208 = arith.constant 64 : i32
      %add3A_209 = vector.broadcast %add3A_208 : i32 to vector<16xi32>
      %add3A_210 = arith.addi %iota3A, %add3A_209 : vector<16xi32>
      tpu.vector_store_idx %arg10[%add3A_210, %broadcast_in_dim3A_70], %get3A_207 : memref<128x16xf32, #tpu.memory_space<vmem>>[vector<16xi32>, vector<16xi32>], vector<16xf32>,
      %get3A_211 = arith.index_cast %add3A_175 : i32 to index
      %get3A_212 = arith.constant 80 : index
      %get3A_213 = tpu.vector_load %arg8[%get3A_211, %get3A_212] {strides = array<i32>} : memref<80x128xf32, #tpu.memory_space<vmem>>, vector<16xf32>,
      %add3A_214 = arith.constant 80 : i32
      %add3A_215 = vector.broadcast %add3A_214 : i32 to vector<16xi32>
      %add3A_216 = arith.addi %iota3A, %add3A_215 : vector<16xi32>
      tpu.vector_store_idx %arg10[%add3A_216, %broadcast_in_dim3A_70], %get3A_213 : memref<128x16xf32, #tpu.memory_space<vmem>>[vector<16xi32>, vector<16xi32>], vector<16xf32>,
      %get3A_217 = arith.index_cast %add3A_175 : i32 to index
      %get3A_218 = arith.constant 96 : index
      %get3A_219 = tpu.vector_load %arg8[%get3A_217, %get3A_218] {strides = array<i32>} : memref<80x128xf32, #tpu.memory_space<vmem>>, vector<16xf32>,
      %add3A_220 = arith.constant 96 : i32
      %add3A_221 = vector.broadcast %add3A_220 : i32 to vector<16xi32>
      %add3A_222 = arith.addi %iota3A, %add3A_221 : vector<16xi32>
      tpu.vector_store_idx %arg10[%add3A_222, %broadcast_in_dim3A_70], %get3A_219 : memref<128x16xf32, #tpu.memory_space<vmem>>[vector<16xi32>, vector<16xi32>], vector<16xf32>,
      %get3A_223 = arith.index_cast %add3A_175 : i32 to index
      %get3A_224 = arith.constant 112 : index
      %get3A_225 = tpu.vector_load %arg8[%get3A_223, %get3A_224] {strides = array<i32>} : memref<80x128xf32, #tpu.memory_space<vmem>>, vector<16xf32>,
      %add3A_226 = arith.constant 112 : i32
      %add3A_227 = vector.broadcast %add3A_226 : i32 to vector<16xi32>
      %add3A_228 = arith.addi %iota3A, %add3A_227 : vector<16xi32>
      tpu.vector_store_idx %arg10[%add3A_228, %broadcast_in_dim3A_70], %get3A_225 : memref<128x16xf32, #tpu.memory_space<vmem>>[vector<16xi32>, vector<16xi32>], vector<16xf32>,
      %dma_start3A_229 = arith.constant 0 : i32
      %dma_start3A_230 = tpu.memref_slice %arg7[%add3A_175, %dma_start3A_229] : memref<80x128xi32, #tpu.memory_space<vmem>> -> memref<1x128xi32, #tpu.memory_space<vmem>>
      %dma_start3A_231 = tpu.memref_squeeze %dma_start3A_230 : memref<1x128xi32, #tpu.memory_space<vmem>> -> memref<128xi32, #tpu.memory_space<vmem>>
      %dma_start3A_232 = arith.constant 0 : i32
      %dma_start3A_233 = arith.constant 0 : i32
      %dma_start3A_234 = tpu.memref_slice %arg6[%dma_start3A_232, %dma_start3A_233] : memref<10000x16xf32, #tpu.memory_space<vmem_shared>> -> memref<10000x16xf32, #tpu.memory_space<vmem_shared>>
      tpu.enqueue_indirect_dma source(%arg10 : memref<128x16xf32, #tpu.memory_space<vmem>>) target(%dma_start3A_234 : memref<10000x16xf32, #tpu.memory_space<vmem_shared>>) offsets(%dma_start3A_231 : memref<128xi32, #tpu.memory_space<vmem>>) semaphore(%arg13 : memref<!tpu.dma_semaphore, #tpu.memory_space<semaphore_mem>>) {add = true}
    }
    %scan3A_74 = arith.constant 40 : i32
    %dma_wait3A_75 = arith.constant 78 : i32
    %dma_wait3A_76 = arith.constant 0 : i32
    %dma_wait3A_77 = tpu.memref_slice %arg7[%dma_wait3A_75, %dma_wait3A_76] : memref<80x128xi32, #tpu.memory_space<vmem>> -> memref<1x128xi32, #tpu.memory_space<vmem>>
    %dma_wait3A_78 = tpu.memref_squeeze %dma_wait3A_77 : memref<1x128xi32, #tpu.memory_space<vmem>> -> memref<128xi32, #tpu.memory_space<vmem>>
    %dma_wait3A_79 = arith.constant 0 : i32
    %dma_wait3A_80 = arith.constant 0 : i32
    %dma_wait3A_81 = tpu.memref_slice %arg6[%dma_wait3A_79, %dma_wait3A_80] : memref<10000x16xf32, #tpu.memory_space<vmem_shared>> -> memref<10000x16xf32, #tpu.memory_space<vmem_shared>>
    tpu.wait_indirect_dma semaphore(%arg12 : memref<!tpu.dma_semaphore, #tpu.memory_space<semaphore_mem>>) src(%arg9 : memref<128x16xf32, #tpu.memory_space<vmem>>) dst(%dma_wait3A_81 : memref<10000x16xf32, #tpu.memory_space<vmem_shared>>)
    %dma_wait3A_82 = arith.constant 79 : i32
    %dma_wait3A_83 = arith.constant 0 : i32
    %dma_wait3A_84 = tpu.memref_slice %arg7[%dma_wait3A_82, %dma_wait3A_83] : memref<80x128xi32, #tpu.memory_space<vmem>> -> memref<1x128xi32, #tpu.memory_space<vmem>>
    %dma_wait3A_85 = tpu.memref_squeeze %dma_wait3A_84 : memref<1x128xi32, #tpu.memory_space<vmem>> -> memref<128xi32, #tpu.memory_space<vmem>>
    %dma_wait3A_86 = arith.constant 0 : i32
    %dma_wait3A_87 = arith.constant 0 : i32
    %dma_wait3A_88 = tpu.memref_slice %arg6[%dma_wait3A_86, %dma_wait3A_87] : memref<10000x16xf32, #tpu.memory_space<vmem_shared>> -> memref<10000x16xf32, #tpu.memory_space<vmem_shared>>
    tpu.wait_indirect_dma semaphore(%arg13 : memref<!tpu.dma_semaphore, #tpu.memory_space<semaphore_mem>>) src(%arg10 : memref<128x16xf32, #tpu.memory_space<vmem>>) dst(%dma_wait3A_88 : memref<10000x16xf32, #tpu.memory_space<vmem_shared>>)
    %barrier3A_89 = arith.constant 0 : index
    tpu.barrier barrier_id(%barrier3A_89)
    %sub3A_90 = arith.constant 25 : i32
    %sub3A_91 = arith.subi %sub3A_90, %arg1 : i32
    %sub3A_92 = arith.constant 16 : i32
    %sub3A_93 = arith.constant 1 : i32
    %sub3A_94 = arith.subi %sub3A_92, %sub3A_93 : i32
    %add3A_95 = arith.addi %sub3A_91, %sub3A_94 : i32
    %div3A_96 = arith.constant 16 : i32
    %div3A_97 = arith.divsi %add3A_95, %div3A_96 : i32
    %while3A_98 = arith.constant 16 : i32
    %while3A_99 = arith.constant 0 : i32
    %while3A_100 = arith.subi %div3A_97, %while3A_99 : i32
    %while3A_101 = arith.addi %while3A_99, %while3A_100 : i32
    %while3A_102 = arith.constant 1 : i32
    %while3A_103 = arith.divsi %while3A_100, %while3A_102 : i32
    %while3A_104 = arith.muli %while3A_103, %while3A_102 : i32
    %while3A_105 = arith.addi %while3A_99, %while3A_104 : i32
    %while3A_106 = arith.constant 1 : i32
    scf.for %while3A_108 = %while3A_99 to %while3A_105 step %while3A_106  : i32 {
      %mul3A_109 = arith.muli %while3A_108, %while3A_98 : i32
      %add3A_110 = arith.addi %arg1, %mul3A_109 : i32
      %mul3A_111 = arith.constant 400 : i32
      %mul3A_112 = arith.muli %add3A_110, %mul3A_111 : i32
      %multiple_of3A = tpu.assume_multiple %mul3A_112, 400 : i32
      %dma_start3A_113 = arith.constant 0 : i32
      %dma_start3A_114 = tpu.memref_slice %arg5[%arg0, %multiple_of3A, %dma_start3A_113] : memref<2x10000x16xf32, #tpu.memory_space<hbm>> -> memref<1x400x16xf32, #tpu.memory_space<hbm>>
      %dma_start3A_115 = tpu.memref_squeeze %dma_start3A_114 : memref<1x400x16xf32, #tpu.memory_space<hbm>> -> memref<400x16xf32, #tpu.memory_space<hbm>>
      %dma_start3A_116 = arith.constant 0 : i32
      %dma_start3A_117 = tpu.memref_slice %arg6[%multiple_of3A, %dma_start3A_116] : memref<10000x16xf32, #tpu.memory_space<vmem_shared>> -> memref<400x16xf32, #tpu.memory_space<vmem_shared>>
      tpu.enqueue_dma source(%dma_start3A_117 : memref<400x16xf32, #tpu.memory_space<vmem_shared>>) target(%dma_start3A_115 : memref<400x16xf32, #tpu.memory_space<hbm>>) target_semaphore(%arg11 : memref<!tpu.dma_semaphore, #tpu.memory_space<semaphore_mem>>)
      %dma_wait3A_118 = arith.constant 0 : i32
      %dma_wait3A_119 = tpu.memref_slice %arg5[%arg0, %multiple_of3A, %dma_wait3A_118] : memref<2x10000x16xf32, #tpu.memory_space<hbm>> -> memref<1x400x16xf32, #tpu.memory_space<hbm>>
      %dma_wait3A_120 = tpu.memref_squeeze %dma_wait3A_119 : memref<1x400x16xf32, #tpu.memory_space<hbm>> -> memref<400x16xf32, #tpu.memory_space<hbm>>
      %dma_wait3A_121 = arith.constant 0 : i32
      %dma_wait3A_122 = tpu.memref_slice %arg6[%multiple_of3A, %dma_wait3A_121] : memref<10000x16xf32, #tpu.memory_space<vmem_shared>> -> memref<400x16xf32, #tpu.memory_space<vmem_shared>>
      tpu.wait_dma2 semaphore(%arg11 : memref<!tpu.dma_semaphore, #tpu.memory_space<semaphore_mem>>) src(%dma_wait3A_122 : memref<400x16xf32, #tpu.memory_space<vmem_shared>>) dst(%dma_wait3A_120 : memref<400x16xf32, #tpu.memory_space<hbm>>)
    }
    %while3A_107 = arith.constant 1 : i32
    scf.for %while3A_108 = %while3A_105 to %while3A_101 step %while3A_107  : i32 {
      %mul3A_109 = arith.muli %while3A_108, %while3A_98 : i32
      %add3A_110 = arith.addi %arg1, %mul3A_109 : i32
      %mul3A_111 = arith.constant 400 : i32
      %mul3A_112 = arith.muli %add3A_110, %mul3A_111 : i32
      %multiple_of3A = tpu.assume_multiple %mul3A_112, 400 : i32
      %dma_start3A_113 = arith.constant 0 : i32
      %dma_start3A_114 = tpu.memref_slice %arg5[%arg0, %multiple_of3A, %dma_start3A_113] : memref<2x10000x16xf32, #tpu.memory_space<hbm>> -> memref<1x400x16xf32, #tpu.memory_space<hbm>>
      %dma_start3A_115 = tpu.memref_squeeze %dma_start3A_114 : memref<1x400x16xf32, #tpu.memory_space<hbm>> -> memref<400x16xf32, #tpu.memory_space<hbm>>
      %dma_start3A_116 = arith.constant 0 : i32
      %dma_start3A_117 = tpu.memref_slice %arg6[%multiple_of3A, %dma_start3A_116] : memref<10000x16xf32, #tpu.memory_space<vmem_shared>> -> memref<400x16xf32, #tpu.memory_space<vmem_shared>>
      tpu.enqueue_dma source(%dma_start3A_117 : memref<400x16xf32, #tpu.memory_space<vmem_shared>>) target(%dma_start3A_115 : memref<400x16xf32, #tpu.memory_space<hbm>>) target_semaphore(%arg11 : memref<!tpu.dma_semaphore, #tpu.memory_space<semaphore_mem>>)
      %dma_wait3A_118 = arith.constant 0 : i32
      %dma_wait3A_119 = tpu.memref_slice %arg5[%arg0, %multiple_of3A, %dma_wait3A_118] : memref<2x10000x16xf32, #tpu.memory_space<hbm>> -> memref<1x400x16xf32, #tpu.memory_space<hbm>>
      %dma_wait3A_120 = tpu.memref_squeeze %dma_wait3A_119 : memref<1x400x16xf32, #tpu.memory_space<hbm>> -> memref<400x16xf32, #tpu.memory_space<hbm>>
      %dma_wait3A_121 = arith.constant 0 : i32
      %dma_wait3A_122 = tpu.memref_slice %arg6[%multiple_of3A, %dma_wait3A_121] : memref<10000x16xf32, #tpu.memory_space<vmem_shared>> -> memref<400x16xf32, #tpu.memory_space<vmem_shared>>
      tpu.wait_dma2 semaphore(%arg11 : memref<!tpu.dma_semaphore, #tpu.memory_space<semaphore_mem>>) src(%dma_wait3A_122 : memref<400x16xf32, #tpu.memory_space<vmem_shared>>) dst(%dma_wait3A_120 : memref<400x16xf32, #tpu.memory_space<hbm>>)
    }
    return
  }
}

#map = affine_map<(d0, d1) -> (0)>
#map1 = affine_map<(d0, d1) -> (0, 0)>
#map2 = affine_map<(d0, d1) -> (0, 0, 0)>
module attributes {stable_mosaic.version = 14 : i64} {
  func.func @msg_kernel(%arg0: i32, %arg1: i32, %arg2: memref<327680xi32, #tpu.memory_space<hbm>>, %arg3: memref<327680xi32, #tpu.memory_space<hbm>>, %arg4: memref<327680xf32, #tpu.memory_space<hbm>>, %arg5: memref<10000x128xf32, #tpu.memory_space<hbm>>, %arg6: memref<10000x128xf32, #tpu.memory_space<hbm>>, %arg7: memref<2x10000x128xf32, #tpu.memory_space<hbm>>, %arg8: memref<10000x128xf32, #tpu.memory_space<vmem_shared>>, %arg9: memref<128xi32, #tpu.memory_space<vmem>>, %arg10: memref<128xi32, #tpu.memory_space<vmem>>, %arg11: memref<128xi32, #tpu.memory_space<vmem>>, %arg12: memref<128xi32, #tpu.memory_space<vmem>>, %arg13: memref<128xf32, #tpu.memory_space<vmem>>, %arg14: memref<128xf32, #tpu.memory_space<vmem>>, %arg15: memref<128x128xf32, #tpu.memory_space<vmem>>, %arg16: memref<128x128xf32, #tpu.memory_space<vmem>>, %arg17: memref<!tpu.dma_semaphore, #tpu.memory_space<semaphore_mem>>, %arg18: memref<!tpu.dma_semaphore, #tpu.memory_space<semaphore_mem>>, %arg19: memref<!tpu.dma_semaphore, #tpu.memory_space<semaphore_mem>>, %arg20: memref<!tpu.dma_semaphore, #tpu.memory_space<semaphore_mem>>, %arg21: memref<!tpu.dma_semaphore, #tpu.memory_space<semaphore_mem>>, %arg22: memref<!tpu.dma_semaphore, #tpu.memory_space<semaphore_mem>>, %arg23: memref<!tpu.dma_semaphore, #tpu.memory_space<semaphore_mem>>, %arg24: memref<!tpu.dma_semaphore, #tpu.memory_space<semaphore_mem>>, %arg25: memref<!tpu.dma_semaphore, #tpu.memory_space<semaphore_mem>>) attributes {dimension_semantics = [#tpu.dimension_semantics<core_parallel>, #tpu.dimension_semantics<subcore_parallel>], iteration_bounds = array<i64: 2, 16>, scalar_prefetch = 0 : i64, scratch_operands = 18 : i64, tpu.core_type = #tpu.core_type<sc_vector_subcore>, window_params = [{transform_indices = #map}, {transform_indices = #map}, {transform_indices = #map}, {transform_indices = #map1}, {transform_indices = #map1}, {transform_indices = #map2}]} {
    %mul3A = arith.constant 2 : i32
    %mul3A_0 = arith.muli %arg1, %mul3A : i32
    %add3A = arith.addi %mul3A_0, %arg0 : i32
    %sub3A = arith.constant 25 : i32
    %sub3A_1 = arith.subi %sub3A, %arg1 : i32
    %sub3A_2 = arith.constant 16 : i32
    %sub3A_3 = arith.constant 1 : i32
    %sub3A_4 = arith.subi %sub3A_2, %sub3A_3 : i32
    %add3A_5 = arith.addi %sub3A_1, %sub3A_4 : i32
    %div3A = arith.constant 16 : i32
    %div3A_6 = arith.divsi %add3A_5, %div3A : i32
    %while3A = arith.constant 16 : i32
    %while3A_7 = arith.constant 0 : i32
    %while3A_8 = arith.subi %div3A_6, %while3A_7 : i32
    %while3A_9 = arith.addi %while3A_7, %while3A_8 : i32
    %while3A_10 = arith.constant 1 : i32
    %while3A_11 = arith.divsi %while3A_8, %while3A_10 : i32
    %while3A_12 = arith.muli %while3A_11, %while3A_10 : i32
    %while3A_13 = arith.addi %while3A_7, %while3A_12 : i32
    %while3A_14 = arith.constant 1 : i32
    scf.for %while3A_81 = %while3A_7 to %while3A_13 step %while3A_14  : i32 {
      %mul3A_82 = arith.muli %while3A_81, %while3A : i32
      %add3A_83 = arith.addi %arg1, %mul3A_82 : i32
      %mul3A_84 = arith.constant 400 : i32
      %mul3A_85 = arith.muli %add3A_83, %mul3A_84 : i32
      %multiple_of3A_86 = tpu.assume_multiple %mul3A_85, 400 : i32
      %dma_start3A_87 = arith.constant 0 : i32
      %dma_start3A_88 = tpu.memref_slice %arg8[%multiple_of3A_86, %dma_start3A_87] : memref<10000x128xf32, #tpu.memory_space<vmem_shared>> -> memref<400x128xf32, #tpu.memory_space<vmem_shared>>
      %dma_start3A_89 = arith.constant 0 : i32
      %dma_start3A_90 = tpu.memref_slice %arg6[%multiple_of3A_86, %dma_start3A_89] : memref<10000x128xf32, #tpu.memory_space<hbm>> -> memref<400x128xf32, #tpu.memory_space<hbm>>
      tpu.enqueue_dma source(%dma_start3A_90 : memref<400x128xf32, #tpu.memory_space<hbm>>) target(%dma_start3A_88 : memref<400x128xf32, #tpu.memory_space<vmem_shared>>) target_semaphore(%arg17 : memref<!tpu.dma_semaphore, #tpu.memory_space<semaphore_mem>>)
      %dma_wait3A_91 = arith.constant 0 : i32
      %dma_wait3A_92 = tpu.memref_slice %arg8[%multiple_of3A_86, %dma_wait3A_91] : memref<10000x128xf32, #tpu.memory_space<vmem_shared>> -> memref<400x128xf32, #tpu.memory_space<vmem_shared>>
      %dma_wait3A_93 = arith.constant 0 : i32
      %dma_wait3A_94 = tpu.memref_slice %arg6[%multiple_of3A_86, %dma_wait3A_93] : memref<10000x128xf32, #tpu.memory_space<hbm>> -> memref<400x128xf32, #tpu.memory_space<hbm>>
      tpu.wait_dma2 semaphore(%arg17 : memref<!tpu.dma_semaphore, #tpu.memory_space<semaphore_mem>>) src(%dma_wait3A_94 : memref<400x128xf32, #tpu.memory_space<hbm>>) dst(%dma_wait3A_92 : memref<400x128xf32, #tpu.memory_space<vmem_shared>>)
    }
    %while3A_15 = arith.constant 1 : i32
    scf.for %while3A_81 = %while3A_13 to %while3A_9 step %while3A_15  : i32 {
      %mul3A_82 = arith.muli %while3A_81, %while3A : i32
      %add3A_83 = arith.addi %arg1, %mul3A_82 : i32
      %mul3A_84 = arith.constant 400 : i32
      %mul3A_85 = arith.muli %add3A_83, %mul3A_84 : i32
      %multiple_of3A_86 = tpu.assume_multiple %mul3A_85, 400 : i32
      %dma_start3A_87 = arith.constant 0 : i32
      %dma_start3A_88 = tpu.memref_slice %arg8[%multiple_of3A_86, %dma_start3A_87] : memref<10000x128xf32, #tpu.memory_space<vmem_shared>> -> memref<400x128xf32, #tpu.memory_space<vmem_shared>>
      %dma_start3A_89 = arith.constant 0 : i32
      %dma_start3A_90 = tpu.memref_slice %arg6[%multiple_of3A_86, %dma_start3A_89] : memref<10000x128xf32, #tpu.memory_space<hbm>> -> memref<400x128xf32, #tpu.memory_space<hbm>>
      tpu.enqueue_dma source(%dma_start3A_90 : memref<400x128xf32, #tpu.memory_space<hbm>>) target(%dma_start3A_88 : memref<400x128xf32, #tpu.memory_space<vmem_shared>>) target_semaphore(%arg17 : memref<!tpu.dma_semaphore, #tpu.memory_space<semaphore_mem>>)
      %dma_wait3A_91 = arith.constant 0 : i32
      %dma_wait3A_92 = tpu.memref_slice %arg8[%multiple_of3A_86, %dma_wait3A_91] : memref<10000x128xf32, #tpu.memory_space<vmem_shared>> -> memref<400x128xf32, #tpu.memory_space<vmem_shared>>
      %dma_wait3A_93 = arith.constant 0 : i32
      %dma_wait3A_94 = tpu.memref_slice %arg6[%multiple_of3A_86, %dma_wait3A_93] : memref<10000x128xf32, #tpu.memory_space<hbm>> -> memref<400x128xf32, #tpu.memory_space<hbm>>
      tpu.wait_dma2 semaphore(%arg17 : memref<!tpu.dma_semaphore, #tpu.memory_space<semaphore_mem>>) src(%dma_wait3A_94 : memref<400x128xf32, #tpu.memory_space<hbm>>) dst(%dma_wait3A_92 : memref<400x128xf32, #tpu.memory_space<vmem_shared>>)
    }
    %mul3A_16 = arith.constant 80 : i32
    %mul3A_17 = arith.muli %add3A, %mul3A_16 : i32
    %add3A_18 = arith.constant 0 : i32
    %add3A_19 = arith.addi %mul3A_17, %add3A_18 : i32
    %mul3A_20 = arith.constant 128 : i32
    %mul3A_21 = arith.muli %add3A_19, %mul3A_20 : i32
    %multiple_of3A = tpu.assume_multiple %mul3A_21, 128 : i32
    %dma_start3A = tpu.memref_slice %arg2[%multiple_of3A] : memref<327680xi32, #tpu.memory_space<hbm>> -> memref<128xi32, #tpu.memory_space<hbm>>
    %dma_start3A_22 = tpu.memref_slice %arg2[%multiple_of3A] : memref<327680xi32, #tpu.memory_space<hbm>> -> memref<128xi32, #tpu.memory_space<hbm>>
    tpu.enqueue_dma source(%dma_start3A_22 : memref<128xi32, #tpu.memory_space<hbm>>) target(%arg9 : memref<128xi32, #tpu.memory_space<vmem>>) target_semaphore(%arg22 : memref<!tpu.dma_semaphore, #tpu.memory_space<semaphore_mem>>)
    %dma_start3A_23 = tpu.memref_slice %arg4[%multiple_of3A] : memref<327680xf32, #tpu.memory_space<hbm>> -> memref<128xf32, #tpu.memory_space<hbm>>
    %dma_start3A_24 = tpu.memref_slice %arg4[%multiple_of3A] : memref<327680xf32, #tpu.memory_space<hbm>> -> memref<128xf32, #tpu.memory_space<hbm>>
    tpu.enqueue_dma source(%dma_start3A_24 : memref<128xf32, #tpu.memory_space<hbm>>) target(%arg13 : memref<128xf32, #tpu.memory_space<vmem>>) target_semaphore(%arg22 : memref<!tpu.dma_semaphore, #tpu.memory_space<semaphore_mem>>)
    %mul3A_25 = arith.constant 80 : i32
    %mul3A_26 = arith.muli %add3A, %mul3A_25 : i32
    %add3A_27 = arith.constant 1 : i32
    %add3A_28 = arith.addi %mul3A_26, %add3A_27 : i32
    %mul3A_29 = arith.constant 128 : i32
    %mul3A_30 = arith.muli %add3A_28, %mul3A_29 : i32
    %multiple_of3A_31 = tpu.assume_multiple %mul3A_30, 128 : i32
    %dma_start3A_32 = tpu.memref_slice %arg2[%multiple_of3A_31] : memref<327680xi32, #tpu.memory_space<hbm>> -> memref<128xi32, #tpu.memory_space<hbm>>
    %dma_start3A_33 = tpu.memref_slice %arg2[%multiple_of3A_31] : memref<327680xi32, #tpu.memory_space<hbm>> -> memref<128xi32, #tpu.memory_space<hbm>>
    tpu.enqueue_dma source(%dma_start3A_33 : memref<128xi32, #tpu.memory_space<hbm>>) target(%arg10 : memref<128xi32, #tpu.memory_space<vmem>>) target_semaphore(%arg23 : memref<!tpu.dma_semaphore, #tpu.memory_space<semaphore_mem>>)
    %dma_start3A_34 = tpu.memref_slice %arg4[%multiple_of3A_31] : memref<327680xf32, #tpu.memory_space<hbm>> -> memref<128xf32, #tpu.memory_space<hbm>>
    %dma_start3A_35 = tpu.memref_slice %arg4[%multiple_of3A_31] : memref<327680xf32, #tpu.memory_space<hbm>> -> memref<128xf32, #tpu.memory_space<hbm>>
    tpu.enqueue_dma source(%dma_start3A_35 : memref<128xf32, #tpu.memory_space<hbm>>) target(%arg14 : memref<128xf32, #tpu.memory_space<vmem>>) target_semaphore(%arg23 : memref<!tpu.dma_semaphore, #tpu.memory_space<semaphore_mem>>)
    %mul3A_36 = arith.constant 80 : i32
    %mul3A_37 = arith.muli %add3A, %mul3A_36 : i32
    %add3A_38 = arith.constant 0 : i32
    %add3A_39 = arith.addi %mul3A_37, %add3A_38 : i32
    %mul3A_40 = arith.constant 128 : i32
    %mul3A_41 = arith.muli %add3A_39, %mul3A_40 : i32
    %multiple_of3A_42 = tpu.assume_multiple %mul3A_41, 128 : i32
    %dma_start3A_43 = tpu.memref_slice %arg3[%multiple_of3A_42] : memref<327680xi32, #tpu.memory_space<hbm>> -> memref<128xi32, #tpu.memory_space<hbm>>
    %dma_start3A_44 = tpu.memref_slice %arg3[%multiple_of3A_42] : memref<327680xi32, #tpu.memory_space<hbm>> -> memref<128xi32, #tpu.memory_space<hbm>>
    tpu.enqueue_dma source(%dma_start3A_44 : memref<128xi32, #tpu.memory_space<hbm>>) target(%arg11 : memref<128xi32, #tpu.memory_space<vmem>>) target_semaphore(%arg24 : memref<!tpu.dma_semaphore, #tpu.memory_space<semaphore_mem>>)
    %dma_wait3A = arith.constant 0 : i32
    %dma_wait3A_45 = tpu.memref_slice %arg2[%dma_wait3A] : memref<327680xi32, #tpu.memory_space<hbm>> -> memref<128xi32, #tpu.memory_space<hbm>>
    %dma_wait3A_46 = arith.constant 0 : i32
    %dma_wait3A_47 = tpu.memref_slice %arg2[%dma_wait3A_46] : memref<327680xi32, #tpu.memory_space<hbm>> -> memref<128xi32, #tpu.memory_space<hbm>>
    tpu.wait_dma2 semaphore(%arg22 : memref<!tpu.dma_semaphore, #tpu.memory_space<semaphore_mem>>) src(%dma_wait3A_47 : memref<128xi32, #tpu.memory_space<hbm>>) dst(%arg9 : memref<128xi32, #tpu.memory_space<vmem>>)
    %dma_wait3A_48 = arith.constant 0 : i32
    %dma_wait3A_49 = tpu.memref_slice %arg4[%dma_wait3A_48] : memref<327680xf32, #tpu.memory_space<hbm>> -> memref<128xf32, #tpu.memory_space<hbm>>
    %dma_wait3A_50 = arith.constant 0 : i32
    %dma_wait3A_51 = tpu.memref_slice %arg4[%dma_wait3A_50] : memref<327680xf32, #tpu.memory_space<hbm>> -> memref<128xf32, #tpu.memory_space<hbm>>
    tpu.wait_dma2 semaphore(%arg22 : memref<!tpu.dma_semaphore, #tpu.memory_space<semaphore_mem>>) src(%dma_wait3A_51 : memref<128xf32, #tpu.memory_space<hbm>>) dst(%arg13 : memref<128xf32, #tpu.memory_space<vmem>>)
    %dma_start3A_52 = arith.constant 0 : i32
    %dma_start3A_53 = arith.constant 0 : i32
    %dma_start3A_54 = tpu.memref_slice %arg5[%dma_start3A_52, %dma_start3A_53] : memref<10000x128xf32, #tpu.memory_space<hbm>> -> memref<10000x128xf32, #tpu.memory_space<hbm>>
    tpu.enqueue_indirect_dma source(%dma_start3A_54 : memref<10000x128xf32, #tpu.memory_space<hbm>>) target(%arg15 : memref<128x128xf32, #tpu.memory_space<vmem>>) offsets(%arg9 : memref<128xi32, #tpu.memory_space<vmem>>) semaphore(%arg18 : memref<!tpu.dma_semaphore, #tpu.memory_space<semaphore_mem>>)
    %barrier3A = arith.constant 0 : index
    tpu.barrier barrier_id(%barrier3A)
    %scan3A = arith.constant 0 : i32
    %scan3A_55 = arith.constant 40 : i32
    %scan3A_56 = arith.addi %scan3A, %scan3A_55 : i32
    %scan3A_57 = arith.constant 1 : i32
    scf.for %scan3A_81 = %scan3A to %scan3A_56 step %scan3A_57  : i32 {
      %mul3A_82 = arith.constant 1 : i32
      %mul3A_83 = arith.muli %scan3A_81, %mul3A_82 : i32
      %add3A_84 = arith.constant 0 : i32
      %add3A_85 = arith.addi %add3A_84, %mul3A_83 : i32
      %mul3A_86 = arith.constant 2 : i32
      %mul3A_87 = arith.muli %add3A_85, %mul3A_86 : i32
      %add3A_88 = arith.constant 0 : i32
      %add3A_89 = arith.addi %mul3A_87, %add3A_88 : i32
      %dma_wait3A_90 = arith.constant 0 : i32
      %dma_wait3A_91 = arith.constant 0 : i32
      %dma_wait3A_92 = tpu.memref_slice %arg5[%dma_wait3A_90, %dma_wait3A_91] : memref<10000x128xf32, #tpu.memory_space<hbm>> -> memref<10000x128xf32, #tpu.memory_space<hbm>>
      tpu.wait_indirect_dma semaphore(%arg18 : memref<!tpu.dma_semaphore, #tpu.memory_space<semaphore_mem>>) src(%dma_wait3A_92 : memref<10000x128xf32, #tpu.memory_space<hbm>>) dst(%arg15 : memref<128x128xf32, #tpu.memory_space<vmem>>)
      %ge3A = arith.constant 1 : i32
      %ge3A_93 = arith.cmpi sge, %add3A_85, %ge3A : i32
      %convert_element_type3A = arith.extui %ge3A_93 : i1 to i32
      %cond3A = arith.constant 0 : i32
      %cond3A_94 = arith.cmpi ne, %convert_element_type3A, %cond3A : i32
      scf.if %cond3A_94 {
        %dma_wait3A_172 = arith.constant 0 : i32
        %dma_wait3A_173 = arith.constant 0 : i32
        %dma_wait3A_174 = tpu.memref_slice %arg8[%dma_wait3A_172, %dma_wait3A_173] : memref<10000x128xf32, #tpu.memory_space<vmem_shared>> -> memref<10000x128xf32, #tpu.memory_space<vmem_shared>>
        tpu.wait_indirect_dma semaphore(%arg21 : memref<!tpu.dma_semaphore, #tpu.memory_space<semaphore_mem>>) src(%arg16 : memref<128x128xf32, #tpu.memory_space<vmem>>) dst(%dma_wait3A_174 : memref<10000x128xf32, #tpu.memory_space<vmem_shared>>)
      } else {
      }
      %add3A_95 = arith.constant 1 : i32
      %add3A_96 = arith.addi %add3A_89, %add3A_95 : i32
      %mul3A_97 = arith.constant 80 : i32
      %mul3A_98 = arith.muli %add3A, %mul3A_97 : i32
      %add3A_99 = arith.addi %mul3A_98, %add3A_96 : i32
      %mul3A_100 = arith.constant 128 : i32
      %mul3A_101 = arith.muli %add3A_99, %mul3A_100 : i32
      %multiple_of3A_102 = tpu.assume_multiple %mul3A_101, 128 : i32
      %dma_start3A_103 = tpu.memref_slice %arg3[%multiple_of3A_102] : memref<327680xi32, #tpu.memory_space<hbm>> -> memref<128xi32, #tpu.memory_space<hbm>>
      %dma_start3A_104 = tpu.memref_slice %arg3[%multiple_of3A_102] : memref<327680xi32, #tpu.memory_space<hbm>> -> memref<128xi32, #tpu.memory_space<hbm>>
      tpu.enqueue_dma source(%dma_start3A_104 : memref<128xi32, #tpu.memory_space<hbm>>) target(%arg12 : memref<128xi32, #tpu.memory_space<vmem>>) target_semaphore(%arg25 : memref<!tpu.dma_semaphore, #tpu.memory_space<semaphore_mem>>)
      %dma_wait3A_105 = arith.constant 0 : i32
      %dma_wait3A_106 = tpu.memref_slice %arg2[%dma_wait3A_105] : memref<327680xi32, #tpu.memory_space<hbm>> -> memref<128xi32, #tpu.memory_space<hbm>>
      %dma_wait3A_107 = arith.constant 0 : i32
      %dma_wait3A_108 = tpu.memref_slice %arg2[%dma_wait3A_107] : memref<327680xi32, #tpu.memory_space<hbm>> -> memref<128xi32, #tpu.memory_space<hbm>>
      tpu.wait_dma2 semaphore(%arg23 : memref<!tpu.dma_semaphore, #tpu.memory_space<semaphore_mem>>) src(%dma_wait3A_108 : memref<128xi32, #tpu.memory_space<hbm>>) dst(%arg10 : memref<128xi32, #tpu.memory_space<vmem>>)
      %dma_wait3A_109 = arith.constant 0 : i32
      %dma_wait3A_110 = tpu.memref_slice %arg4[%dma_wait3A_109] : memref<327680xf32, #tpu.memory_space<hbm>> -> memref<128xf32, #tpu.memory_space<hbm>>
      %dma_wait3A_111 = arith.constant 0 : i32
      %dma_wait3A_112 = tpu.memref_slice %arg4[%dma_wait3A_111] : memref<327680xf32, #tpu.memory_space<hbm>> -> memref<128xf32, #tpu.memory_space<hbm>>
      tpu.wait_dma2 semaphore(%arg23 : memref<!tpu.dma_semaphore, #tpu.memory_space<semaphore_mem>>) src(%dma_wait3A_112 : memref<128xf32, #tpu.memory_space<hbm>>) dst(%arg14 : memref<128xf32, #tpu.memory_space<vmem>>)
      %dma_start3A_113 = arith.constant 0 : i32
      %dma_start3A_114 = arith.constant 0 : i32
      %dma_start3A_115 = tpu.memref_slice %arg5[%dma_start3A_113, %dma_start3A_114] : memref<10000x128xf32, #tpu.memory_space<hbm>> -> memref<10000x128xf32, #tpu.memory_space<hbm>>
      tpu.enqueue_indirect_dma source(%dma_start3A_115 : memref<10000x128xf32, #tpu.memory_space<hbm>>) target(%arg16 : memref<128x128xf32, #tpu.memory_space<vmem>>) offsets(%arg10 : memref<128xi32, #tpu.memory_space<vmem>>) semaphore(%arg19 : memref<!tpu.dma_semaphore, #tpu.memory_space<semaphore_mem>>)
      %parallel_loop3A = arith.constant 0 : i32
      %parallel_loop3A_116 = arith.constant 128 : i32
      %parallel_loop3A_117 = arith.constant 1 : i32
      scf.for %parallel_loop3A_172 = %parallel_loop3A to %parallel_loop3A_116 step %parallel_loop3A_117  : i32 {
        %parallel_loop3A_173 = vector.broadcast %parallel_loop3A_172 : i32 to vector<16xi32>
        %parallel_loop3A_174 = tpu.vector_load_idx %arg13[%parallel_loop3A_173] : memref<128xf32, #tpu.memory_space<vmem>>[vector<16xi32>], vector<16xf32>,
        %parallel_loop3A_175 = arith.index_cast %parallel_loop3A_172 : i32 to index
        %parallel_loop3A_176 = arith.constant 0 : index
        %parallel_loop3A_177 = tpu.vector_load %arg15[%parallel_loop3A_175, %parallel_loop3A_176] {strides = array<i32>} : memref<128x128xf32, #tpu.memory_space<vmem>>, vector<16xf32>,
        %parallel_loop3A_178 = arith.mulf %parallel_loop3A_177, %parallel_loop3A_174 : vector<16xf32>
        %parallel_loop3A_179 = arith.index_cast %parallel_loop3A_172 : i32 to index
        %parallel_loop3A_180 = arith.constant 0 : index
        %parallel_loop3A_181 = tpu.vector_load %arg15[%parallel_loop3A_179, %parallel_loop3A_180] {strides = array<i32>} : memref<128x128xf32, #tpu.memory_space<vmem>>, vector<16xf32>,
        tpu.vector_store %arg15[%parallel_loop3A_179, %parallel_loop3A_180], %parallel_loop3A_178 {strides = array<i32>} : memref<128x128xf32, #tpu.memory_space<vmem>>, vector<16xf32>,
        %parallel_loop3A_182 = arith.index_cast %parallel_loop3A_172 : i32 to index
        %parallel_loop3A_183 = arith.constant 16 : index
        %parallel_loop3A_184 = tpu.vector_load %arg15[%parallel_loop3A_182, %parallel_loop3A_183] {strides = array<i32>} : memref<128x128xf32, #tpu.memory_space<vmem>>, vector<16xf32>,
        %parallel_loop3A_185 = arith.mulf %parallel_loop3A_184, %parallel_loop3A_174 : vector<16xf32>
        %parallel_loop3A_186 = arith.index_cast %parallel_loop3A_172 : i32 to index
        %parallel_loop3A_187 = arith.constant 16 : index
        %parallel_loop3A_188 = tpu.vector_load %arg15[%parallel_loop3A_186, %parallel_loop3A_187] {strides = array<i32>} : memref<128x128xf32, #tpu.memory_space<vmem>>, vector<16xf32>,
        tpu.vector_store %arg15[%parallel_loop3A_186, %parallel_loop3A_187], %parallel_loop3A_185 {strides = array<i32>} : memref<128x128xf32, #tpu.memory_space<vmem>>, vector<16xf32>,
        %parallel_loop3A_189 = arith.index_cast %parallel_loop3A_172 : i32 to index
        %parallel_loop3A_190 = arith.constant 32 : index
        %parallel_loop3A_191 = tpu.vector_load %arg15[%parallel_loop3A_189, %parallel_loop3A_190] {strides = array<i32>} : memref<128x128xf32, #tpu.memory_space<vmem>>, vector<16xf32>,
        %parallel_loop3A_192 = arith.mulf %parallel_loop3A_191, %parallel_loop3A_174 : vector<16xf32>
        %parallel_loop3A_193 = arith.index_cast %parallel_loop3A_172 : i32 to index
        %parallel_loop3A_194 = arith.constant 32 : index
        %parallel_loop3A_195 = tpu.vector_load %arg15[%parallel_loop3A_193, %parallel_loop3A_194] {strides = array<i32>} : memref<128x128xf32, #tpu.memory_space<vmem>>, vector<16xf32>,
        tpu.vector_store %arg15[%parallel_loop3A_193, %parallel_loop3A_194], %parallel_loop3A_192 {strides = array<i32>} : memref<128x128xf32, #tpu.memory_space<vmem>>, vector<16xf32>,
        %parallel_loop3A_196 = arith.index_cast %parallel_loop3A_172 : i32 to index
        %parallel_loop3A_197 = arith.constant 48 : index
        %parallel_loop3A_198 = tpu.vector_load %arg15[%parallel_loop3A_196, %parallel_loop3A_197] {strides = array<i32>} : memref<128x128xf32, #tpu.memory_space<vmem>>, vector<16xf32>,
        %parallel_loop3A_199 = arith.mulf %parallel_loop3A_198, %parallel_loop3A_174 : vector<16xf32>
        %parallel_loop3A_200 = arith.index_cast %parallel_loop3A_172 : i32 to index
        %parallel_loop3A_201 = arith.constant 48 : index
        %parallel_loop3A_202 = tpu.vector_load %arg15[%parallel_loop3A_200, %parallel_loop3A_201] {strides = array<i32>} : memref<128x128xf32, #tpu.memory_space<vmem>>, vector<16xf32>,
        tpu.vector_store %arg15[%parallel_loop3A_200, %parallel_loop3A_201], %parallel_loop3A_199 {strides = array<i32>} : memref<128x128xf32, #tpu.memory_space<vmem>>, vector<16xf32>,
        %parallel_loop3A_203 = arith.index_cast %parallel_loop3A_172 : i32 to index
        %parallel_loop3A_204 = arith.constant 64 : index
        %parallel_loop3A_205 = tpu.vector_load %arg15[%parallel_loop3A_203, %parallel_loop3A_204] {strides = array<i32>} : memref<128x128xf32, #tpu.memory_space<vmem>>, vector<16xf32>,
        %parallel_loop3A_206 = arith.mulf %parallel_loop3A_205, %parallel_loop3A_174 : vector<16xf32>
        %parallel_loop3A_207 = arith.index_cast %parallel_loop3A_172 : i32 to index
        %parallel_loop3A_208 = arith.constant 64 : index
        %parallel_loop3A_209 = tpu.vector_load %arg15[%parallel_loop3A_207, %parallel_loop3A_208] {strides = array<i32>} : memref<128x128xf32, #tpu.memory_space<vmem>>, vector<16xf32>,
        tpu.vector_store %arg15[%parallel_loop3A_207, %parallel_loop3A_208], %parallel_loop3A_206 {strides = array<i32>} : memref<128x128xf32, #tpu.memory_space<vmem>>, vector<16xf32>,
        %parallel_loop3A_210 = arith.index_cast %parallel_loop3A_172 : i32 to index
        %parallel_loop3A_211 = arith.constant 80 : index
        %parallel_loop3A_212 = tpu.vector_load %arg15[%parallel_loop3A_210, %parallel_loop3A_211] {strides = array<i32>} : memref<128x128xf32, #tpu.memory_space<vmem>>, vector<16xf32>,
        %parallel_loop3A_213 = arith.mulf %parallel_loop3A_212, %parallel_loop3A_174 : vector<16xf32>
        %parallel_loop3A_214 = arith.index_cast %parallel_loop3A_172 : i32 to index
        %parallel_loop3A_215 = arith.constant 80 : index
        %parallel_loop3A_216 = tpu.vector_load %arg15[%parallel_loop3A_214, %parallel_loop3A_215] {strides = array<i32>} : memref<128x128xf32, #tpu.memory_space<vmem>>, vector<16xf32>,
        tpu.vector_store %arg15[%parallel_loop3A_214, %parallel_loop3A_215], %parallel_loop3A_213 {strides = array<i32>} : memref<128x128xf32, #tpu.memory_space<vmem>>, vector<16xf32>,
        %parallel_loop3A_217 = arith.index_cast %parallel_loop3A_172 : i32 to index
        %parallel_loop3A_218 = arith.constant 96 : index
        %parallel_loop3A_219 = tpu.vector_load %arg15[%parallel_loop3A_217, %parallel_loop3A_218] {strides = array<i32>} : memref<128x128xf32, #tpu.memory_space<vmem>>, vector<16xf32>,
        %parallel_loop3A_220 = arith.mulf %parallel_loop3A_219, %parallel_loop3A_174 : vector<16xf32>
        %parallel_loop3A_221 = arith.index_cast %parallel_loop3A_172 : i32 to index
        %parallel_loop3A_222 = arith.constant 96 : index
        %parallel_loop3A_223 = tpu.vector_load %arg15[%parallel_loop3A_221, %parallel_loop3A_222] {strides = array<i32>} : memref<128x128xf32, #tpu.memory_space<vmem>>, vector<16xf32>,
        tpu.vector_store %arg15[%parallel_loop3A_221, %parallel_loop3A_222], %parallel_loop3A_220 {strides = array<i32>} : memref<128x128xf32, #tpu.memory_space<vmem>>, vector<16xf32>,
        %parallel_loop3A_224 = arith.index_cast %parallel_loop3A_172 : i32 to index
        %parallel_loop3A_225 = arith.constant 112 : index
        %parallel_loop3A_226 = tpu.vector_load %arg15[%parallel_loop3A_224, %parallel_loop3A_225] {strides = array<i32>} : memref<128x128xf32, #tpu.memory_space<vmem>>, vector<16xf32>,
        %parallel_loop3A_227 = arith.mulf %parallel_loop3A_226, %parallel_loop3A_174 : vector<16xf32>
        %parallel_loop3A_228 = arith.index_cast %parallel_loop3A_172 : i32 to index
        %parallel_loop3A_229 = arith.constant 112 : index
        %parallel_loop3A_230 = tpu.vector_load %arg15[%parallel_loop3A_228, %parallel_loop3A_229] {strides = array<i32>} : memref<128x128xf32, #tpu.memory_space<vmem>>, vector<16xf32>,
        tpu.vector_store %arg15[%parallel_loop3A_228, %parallel_loop3A_229], %parallel_loop3A_227 {strides = array<i32>} : memref<128x128xf32, #tpu.memory_space<vmem>>, vector<16xf32>,
      } {sc.loop_unroll_factor = 4 : i64, sc.parallel_access}
      %dma_wait3A_118 = arith.constant 0 : i32
      %dma_wait3A_119 = tpu.memref_slice %arg3[%dma_wait3A_118] : memref<327680xi32, #tpu.memory_space<hbm>> -> memref<128xi32, #tpu.memory_space<hbm>>
      %dma_wait3A_120 = arith.constant 0 : i32
      %dma_wait3A_121 = tpu.memref_slice %arg3[%dma_wait3A_120] : memref<327680xi32, #tpu.memory_space<hbm>> -> memref<128xi32, #tpu.memory_space<hbm>>
      tpu.wait_dma2 semaphore(%arg24 : memref<!tpu.dma_semaphore, #tpu.memory_space<semaphore_mem>>) src(%dma_wait3A_121 : memref<128xi32, #tpu.memory_space<hbm>>) dst(%arg11 : memref<128xi32, #tpu.memory_space<vmem>>)
      %dma_start3A_122 = arith.constant 0 : i32
      %dma_start3A_123 = arith.constant 0 : i32
      %dma_start3A_124 = tpu.memref_slice %arg8[%dma_start3A_122, %dma_start3A_123] : memref<10000x128xf32, #tpu.memory_space<vmem_shared>> -> memref<10000x128xf32, #tpu.memory_space<vmem_shared>>
      tpu.enqueue_indirect_dma source(%arg15 : memref<128x128xf32, #tpu.memory_space<vmem>>) target(%dma_start3A_124 : memref<10000x128xf32, #tpu.memory_space<vmem_shared>>) offsets(%arg11 : memref<128xi32, #tpu.memory_space<vmem>>) semaphore(%arg20 : memref<!tpu.dma_semaphore, #tpu.memory_space<semaphore_mem>>) {add = true}
      %add3A_125 = arith.constant 2 : i32
      %add3A_126 = arith.addi %add3A_89, %add3A_125 : i32
      %lt3A = arith.constant 80 : i32
      %lt3A_127 = arith.cmpi slt, %add3A_126, %lt3A : i32
      %convert_element_type3A_128 = arith.extui %lt3A_127 : i1 to i32
      %cond3A_129 = arith.constant 0 : i32
      %cond3A_130 = arith.cmpi ne, %convert_element_type3A_128, %cond3A_129 : i32
      scf.if %cond3A_130 {
        %add3A_172 = arith.constant 2 : i32
        %add3A_173 = arith.addi %add3A_89, %add3A_172 : i32
        %mul3A_174 = arith.constant 80 : i32
        %mul3A_175 = arith.muli %add3A, %mul3A_174 : i32
        %add3A_176 = arith.addi %mul3A_175, %add3A_173 : i32
        %mul3A_177 = arith.constant 128 : i32
        %mul3A_178 = arith.muli %add3A_176, %mul3A_177 : i32
        %multiple_of3A_179 = tpu.assume_multiple %mul3A_178, 128 : i32
        %dma_start3A_180 = tpu.memref_slice %arg2[%multiple_of3A_179] : memref<327680xi32, #tpu.memory_space<hbm>> -> memref<128xi32, #tpu.memory_space<hbm>>
        %dma_start3A_181 = tpu.memref_slice %arg2[%multiple_of3A_179] : memref<327680xi32, #tpu.memory_space<hbm>> -> memref<128xi32, #tpu.memory_space<hbm>>
        tpu.enqueue_dma source(%dma_start3A_181 : memref<128xi32, #tpu.memory_space<hbm>>) target(%arg9 : memref<128xi32, #tpu.memory_space<vmem>>) target_semaphore(%arg22 : memref<!tpu.dma_semaphore, #tpu.memory_space<semaphore_mem>>)
        %dma_start3A_182 = tpu.memref_slice %arg4[%multiple_of3A_179] : memref<327680xf32, #tpu.memory_space<hbm>> -> memref<128xf32, #tpu.memory_space<hbm>>
        %dma_start3A_183 = tpu.memref_slice %arg4[%multiple_of3A_179] : memref<327680xf32, #tpu.memory_space<hbm>> -> memref<128xf32, #tpu.memory_space<hbm>>
        tpu.enqueue_dma source(%dma_start3A_183 : memref<128xf32, #tpu.memory_space<hbm>>) target(%arg13 : memref<128xf32, #tpu.memory_space<vmem>>) target_semaphore(%arg22 : memref<!tpu.dma_semaphore, #tpu.memory_space<semaphore_mem>>)
      } else {
      }
      %mul3A_131 = arith.constant 2 : i32
      %mul3A_132 = arith.muli %add3A_85, %mul3A_131 : i32
      %add3A_133 = arith.constant 1 : i32
      %add3A_134 = arith.addi %mul3A_132, %add3A_133 : i32
      %dma_wait3A_135 = arith.constant 0 : i32
      %dma_wait3A_136 = arith.constant 0 : i32
      %dma_wait3A_137 = tpu.memref_slice %arg5[%dma_wait3A_135, %dma_wait3A_136] : memref<10000x128xf32, #tpu.memory_space<hbm>> -> memref<10000x128xf32, #tpu.memory_space<hbm>>
      tpu.wait_indirect_dma semaphore(%arg19 : memref<!tpu.dma_semaphore, #tpu.memory_space<semaphore_mem>>) src(%dma_wait3A_137 : memref<10000x128xf32, #tpu.memory_space<hbm>>) dst(%arg16 : memref<128x128xf32, #tpu.memory_space<vmem>>)
      %dma_wait3A_138 = arith.constant 0 : i32
      %dma_wait3A_139 = arith.constant 0 : i32
      %dma_wait3A_140 = tpu.memref_slice %arg8[%dma_wait3A_138, %dma_wait3A_139] : memref<10000x128xf32, #tpu.memory_space<vmem_shared>> -> memref<10000x128xf32, #tpu.memory_space<vmem_shared>>
      tpu.wait_indirect_dma semaphore(%arg20 : memref<!tpu.dma_semaphore, #tpu.memory_space<semaphore_mem>>) src(%arg15 : memref<128x128xf32, #tpu.memory_space<vmem>>) dst(%dma_wait3A_140 : memref<10000x128xf32, #tpu.memory_space<vmem_shared>>)
      %add3A_141 = arith.constant 1 : i32
      %add3A_142 = arith.addi %add3A_85, %add3A_141 : i32
      %lt3A_143 = arith.constant 40 : i32
      %lt3A_144 = arith.cmpi slt, %add3A_142, %lt3A_143 : i32
      %convert_element_type3A_145 = arith.extui %lt3A_144 : i1 to i32
      %cond3A_146 = arith.constant 0 : i32
      %cond3A_147 = arith.cmpi ne, %convert_element_type3A_145, %cond3A_146 : i32
      scf.if %cond3A_147 {
        %add3A_172 = arith.constant 1 : i32
        %add3A_173 = arith.addi %add3A_134, %add3A_172 : i32
        %mul3A_174 = arith.constant 80 : i32
        %mul3A_175 = arith.muli %add3A, %mul3A_174 : i32
        %add3A_176 = arith.addi %mul3A_175, %add3A_173 : i32
        %mul3A_177 = arith.constant 128 : i32
        %mul3A_178 = arith.muli %add3A_176, %mul3A_177 : i32
        %multiple_of3A_179 = tpu.assume_multiple %mul3A_178, 128 : i32
        %dma_start3A_180 = tpu.memref_slice %arg3[%multiple_of3A_179] : memref<327680xi32, #tpu.memory_space<hbm>> -> memref<128xi32, #tpu.memory_space<hbm>>
        %dma_start3A_181 = tpu.memref_slice %arg3[%multiple_of3A_179] : memref<327680xi32, #tpu.memory_space<hbm>> -> memref<128xi32, #tpu.memory_space<hbm>>
        tpu.enqueue_dma source(%dma_start3A_181 : memref<128xi32, #tpu.memory_space<hbm>>) target(%arg11 : memref<128xi32, #tpu.memory_space<vmem>>) target_semaphore(%arg24 : memref<!tpu.dma_semaphore, #tpu.memory_space<semaphore_mem>>)
      } else {
      }
      %add3A_148 = arith.constant 1 : i32
      %add3A_149 = arith.addi %add3A_85, %add3A_148 : i32
      %lt3A_150 = arith.constant 40 : i32
      %lt3A_151 = arith.cmpi slt, %add3A_149, %lt3A_150 : i32
      %convert_element_type3A_152 = arith.extui %lt3A_151 : i1 to i32
      %cond3A_153 = arith.constant 0 : i32
      %cond3A_154 = arith.cmpi ne, %convert_element_type3A_152, %cond3A_153 : i32
      scf.if %cond3A_154 {
        %dma_wait3A_172 = arith.constant 0 : i32
        %dma_wait3A_173 = tpu.memref_slice %arg2[%dma_wait3A_172] : memref<327680xi32, #tpu.memory_space<hbm>> -> memref<128xi32, #tpu.memory_space<hbm>>
        %dma_wait3A_174 = arith.constant 0 : i32
        %dma_wait3A_175 = tpu.memref_slice %arg2[%dma_wait3A_174] : memref<327680xi32, #tpu.memory_space<hbm>> -> memref<128xi32, #tpu.memory_space<hbm>>
        tpu.wait_dma2 semaphore(%arg22 : memref<!tpu.dma_semaphore, #tpu.memory_space<semaphore_mem>>) src(%dma_wait3A_175 : memref<128xi32, #tpu.memory_space<hbm>>) dst(%arg9 : memref<128xi32, #tpu.memory_space<vmem>>)
        %dma_wait3A_176 = arith.constant 0 : i32
        %dma_wait3A_177 = tpu.memref_slice %arg4[%dma_wait3A_176] : memref<327680xf32, #tpu.memory_space<hbm>> -> memref<128xf32, #tpu.memory_space<hbm>>
        %dma_wait3A_178 = arith.constant 0 : i32
        %dma_wait3A_179 = tpu.memref_slice %arg4[%dma_wait3A_178] : memref<327680xf32, #tpu.memory_space<hbm>> -> memref<128xf32, #tpu.memory_space<hbm>>
        tpu.wait_dma2 semaphore(%arg22 : memref<!tpu.dma_semaphore, #tpu.memory_space<semaphore_mem>>) src(%dma_wait3A_179 : memref<128xf32, #tpu.memory_space<hbm>>) dst(%arg13 : memref<128xf32, #tpu.memory_space<vmem>>)
        %dma_start3A_180 = arith.constant 0 : i32
        %dma_start3A_181 = arith.constant 0 : i32
        %dma_start3A_182 = tpu.memref_slice %arg5[%dma_start3A_180, %dma_start3A_181] : memref<10000x128xf32, #tpu.memory_space<hbm>> -> memref<10000x128xf32, #tpu.memory_space<hbm>>
        tpu.enqueue_indirect_dma source(%dma_start3A_182 : memref<10000x128xf32, #tpu.memory_space<hbm>>) target(%arg15 : memref<128x128xf32, #tpu.memory_space<vmem>>) offsets(%arg9 : memref<128xi32, #tpu.memory_space<vmem>>) semaphore(%arg18 : memref<!tpu.dma_semaphore, #tpu.memory_space<semaphore_mem>>)
      } else {
      }
      %parallel_loop3A_155 = arith.constant 0 : i32
      %parallel_loop3A_156 = arith.constant 128 : i32
      %parallel_loop3A_157 = arith.constant 1 : i32
      scf.for %parallel_loop3A_172 = %parallel_loop3A_155 to %parallel_loop3A_156 step %parallel_loop3A_157  : i32 {
        %parallel_loop3A_173 = vector.broadcast %parallel_loop3A_172 : i32 to vector<16xi32>
        %parallel_loop3A_174 = tpu.vector_load_idx %arg14[%parallel_loop3A_173] : memref<128xf32, #tpu.memory_space<vmem>>[vector<16xi32>], vector<16xf32>,
        %parallel_loop3A_175 = arith.index_cast %parallel_loop3A_172 : i32 to index
        %parallel_loop3A_176 = arith.constant 0 : index
        %parallel_loop3A_177 = tpu.vector_load %arg16[%parallel_loop3A_175, %parallel_loop3A_176] {strides = array<i32>} : memref<128x128xf32, #tpu.memory_space<vmem>>, vector<16xf32>,
        %parallel_loop3A_178 = arith.mulf %parallel_loop3A_177, %parallel_loop3A_174 : vector<16xf32>
        %parallel_loop3A_179 = arith.index_cast %parallel_loop3A_172 : i32 to index
        %parallel_loop3A_180 = arith.constant 0 : index
        %parallel_loop3A_181 = tpu.vector_load %arg16[%parallel_loop3A_179, %parallel_loop3A_180] {strides = array<i32>} : memref<128x128xf32, #tpu.memory_space<vmem>>, vector<16xf32>,
        tpu.vector_store %arg16[%parallel_loop3A_179, %parallel_loop3A_180], %parallel_loop3A_178 {strides = array<i32>} : memref<128x128xf32, #tpu.memory_space<vmem>>, vector<16xf32>,
        %parallel_loop3A_182 = arith.index_cast %parallel_loop3A_172 : i32 to index
        %parallel_loop3A_183 = arith.constant 16 : index
        %parallel_loop3A_184 = tpu.vector_load %arg16[%parallel_loop3A_182, %parallel_loop3A_183] {strides = array<i32>} : memref<128x128xf32, #tpu.memory_space<vmem>>, vector<16xf32>,
        %parallel_loop3A_185 = arith.mulf %parallel_loop3A_184, %parallel_loop3A_174 : vector<16xf32>
        %parallel_loop3A_186 = arith.index_cast %parallel_loop3A_172 : i32 to index
        %parallel_loop3A_187 = arith.constant 16 : index
        %parallel_loop3A_188 = tpu.vector_load %arg16[%parallel_loop3A_186, %parallel_loop3A_187] {strides = array<i32>} : memref<128x128xf32, #tpu.memory_space<vmem>>, vector<16xf32>,
        tpu.vector_store %arg16[%parallel_loop3A_186, %parallel_loop3A_187], %parallel_loop3A_185 {strides = array<i32>} : memref<128x128xf32, #tpu.memory_space<vmem>>, vector<16xf32>,
        %parallel_loop3A_189 = arith.index_cast %parallel_loop3A_172 : i32 to index
        %parallel_loop3A_190 = arith.constant 32 : index
        %parallel_loop3A_191 = tpu.vector_load %arg16[%parallel_loop3A_189, %parallel_loop3A_190] {strides = array<i32>} : memref<128x128xf32, #tpu.memory_space<vmem>>, vector<16xf32>,
        %parallel_loop3A_192 = arith.mulf %parallel_loop3A_191, %parallel_loop3A_174 : vector<16xf32>
        %parallel_loop3A_193 = arith.index_cast %parallel_loop3A_172 : i32 to index
        %parallel_loop3A_194 = arith.constant 32 : index
        %parallel_loop3A_195 = tpu.vector_load %arg16[%parallel_loop3A_193, %parallel_loop3A_194] {strides = array<i32>} : memref<128x128xf32, #tpu.memory_space<vmem>>, vector<16xf32>,
        tpu.vector_store %arg16[%parallel_loop3A_193, %parallel_loop3A_194], %parallel_loop3A_192 {strides = array<i32>} : memref<128x128xf32, #tpu.memory_space<vmem>>, vector<16xf32>,
        %parallel_loop3A_196 = arith.index_cast %parallel_loop3A_172 : i32 to index
        %parallel_loop3A_197 = arith.constant 48 : index
        %parallel_loop3A_198 = tpu.vector_load %arg16[%parallel_loop3A_196, %parallel_loop3A_197] {strides = array<i32>} : memref<128x128xf32, #tpu.memory_space<vmem>>, vector<16xf32>,
        %parallel_loop3A_199 = arith.mulf %parallel_loop3A_198, %parallel_loop3A_174 : vector<16xf32>
        %parallel_loop3A_200 = arith.index_cast %parallel_loop3A_172 : i32 to index
        %parallel_loop3A_201 = arith.constant 48 : index
        %parallel_loop3A_202 = tpu.vector_load %arg16[%parallel_loop3A_200, %parallel_loop3A_201] {strides = array<i32>} : memref<128x128xf32, #tpu.memory_space<vmem>>, vector<16xf32>,
        tpu.vector_store %arg16[%parallel_loop3A_200, %parallel_loop3A_201], %parallel_loop3A_199 {strides = array<i32>} : memref<128x128xf32, #tpu.memory_space<vmem>>, vector<16xf32>,
        %parallel_loop3A_203 = arith.index_cast %parallel_loop3A_172 : i32 to index
        %parallel_loop3A_204 = arith.constant 64 : index
        %parallel_loop3A_205 = tpu.vector_load %arg16[%parallel_loop3A_203, %parallel_loop3A_204] {strides = array<i32>} : memref<128x128xf32, #tpu.memory_space<vmem>>, vector<16xf32>,
        %parallel_loop3A_206 = arith.mulf %parallel_loop3A_205, %parallel_loop3A_174 : vector<16xf32>
        %parallel_loop3A_207 = arith.index_cast %parallel_loop3A_172 : i32 to index
        %parallel_loop3A_208 = arith.constant 64 : index
        %parallel_loop3A_209 = tpu.vector_load %arg16[%parallel_loop3A_207, %parallel_loop3A_208] {strides = array<i32>} : memref<128x128xf32, #tpu.memory_space<vmem>>, vector<16xf32>,
        tpu.vector_store %arg16[%parallel_loop3A_207, %parallel_loop3A_208], %parallel_loop3A_206 {strides = array<i32>} : memref<128x128xf32, #tpu.memory_space<vmem>>, vector<16xf32>,
        %parallel_loop3A_210 = arith.index_cast %parallel_loop3A_172 : i32 to index
        %parallel_loop3A_211 = arith.constant 80 : index
        %parallel_loop3A_212 = tpu.vector_load %arg16[%parallel_loop3A_210, %parallel_loop3A_211] {strides = array<i32>} : memref<128x128xf32, #tpu.memory_space<vmem>>, vector<16xf32>,
        %parallel_loop3A_213 = arith.mulf %parallel_loop3A_212, %parallel_loop3A_174 : vector<16xf32>
        %parallel_loop3A_214 = arith.index_cast %parallel_loop3A_172 : i32 to index
        %parallel_loop3A_215 = arith.constant 80 : index
        %parallel_loop3A_216 = tpu.vector_load %arg16[%parallel_loop3A_214, %parallel_loop3A_215] {strides = array<i32>} : memref<128x128xf32, #tpu.memory_space<vmem>>, vector<16xf32>,
        tpu.vector_store %arg16[%parallel_loop3A_214, %parallel_loop3A_215], %parallel_loop3A_213 {strides = array<i32>} : memref<128x128xf32, #tpu.memory_space<vmem>>, vector<16xf32>,
        %parallel_loop3A_217 = arith.index_cast %parallel_loop3A_172 : i32 to index
        %parallel_loop3A_218 = arith.constant 96 : index
        %parallel_loop3A_219 = tpu.vector_load %arg16[%parallel_loop3A_217, %parallel_loop3A_218] {strides = array<i32>} : memref<128x128xf32, #tpu.memory_space<vmem>>, vector<16xf32>,
        %parallel_loop3A_220 = arith.mulf %parallel_loop3A_219, %parallel_loop3A_174 : vector<16xf32>
        %parallel_loop3A_221 = arith.index_cast %parallel_loop3A_172 : i32 to index
        %parallel_loop3A_222 = arith.constant 96 : index
        %parallel_loop3A_223 = tpu.vector_load %arg16[%parallel_loop3A_221, %parallel_loop3A_222] {strides = array<i32>} : memref<128x128xf32, #tpu.memory_space<vmem>>, vector<16xf32>,
        tpu.vector_store %arg16[%parallel_loop3A_221, %parallel_loop3A_222], %parallel_loop3A_220 {strides = array<i32>} : memref<128x128xf32, #tpu.memory_space<vmem>>, vector<16xf32>,
        %parallel_loop3A_224 = arith.index_cast %parallel_loop3A_172 : i32 to index
        %parallel_loop3A_225 = arith.constant 112 : index
        %parallel_loop3A_226 = tpu.vector_load %arg16[%parallel_loop3A_224, %parallel_loop3A_225] {strides = array<i32>} : memref<128x128xf32, #tpu.memory_space<vmem>>, vector<16xf32>,
        %parallel_loop3A_227 = arith.mulf %parallel_loop3A_226, %parallel_loop3A_174 : vector<16xf32>
        %parallel_loop3A_228 = arith.index_cast %parallel_loop3A_172 : i32 to index
        %parallel_loop3A_229 = arith.constant 112 : index
        %parallel_loop3A_230 = tpu.vector_load %arg16[%parallel_loop3A_228, %parallel_loop3A_229] {strides = array<i32>} : memref<128x128xf32, #tpu.memory_space<vmem>>, vector<16xf32>,
        tpu.vector_store %arg16[%parallel_loop3A_228, %parallel_loop3A_229], %parallel_loop3A_227 {strides = array<i32>} : memref<128x128xf32, #tpu.memory_space<vmem>>, vector<16xf32>,
      } {sc.loop_unroll_factor = 4 : i64, sc.parallel_access}
      %dma_wait3A_158 = arith.constant 0 : i32
      %dma_wait3A_159 = tpu.memref_slice %arg3[%dma_wait3A_158] : memref<327680xi32, #tpu.memory_space<hbm>> -> memref<128xi32, #tpu.memory_space<hbm>>
      %dma_wait3A_160 = arith.constant 0 : i32
      %dma_wait3A_161 = tpu.memref_slice %arg3[%dma_wait3A_160] : memref<327680xi32, #tpu.memory_space<hbm>> -> memref<128xi32, #tpu.memory_space<hbm>>
      tpu.wait_dma2 semaphore(%arg25 : memref<!tpu.dma_semaphore, #tpu.memory_space<semaphore_mem>>) src(%dma_wait3A_161 : memref<128xi32, #tpu.memory_space<hbm>>) dst(%arg12 : memref<128xi32, #tpu.memory_space<vmem>>)
      %dma_start3A_162 = arith.constant 0 : i32
      %dma_start3A_163 = arith.constant 0 : i32
      %dma_start3A_164 = tpu.memref_slice %arg8[%dma_start3A_162, %dma_start3A_163] : memref<10000x128xf32, #tpu.memory_space<vmem_shared>> -> memref<10000x128xf32, #tpu.memory_space<vmem_shared>>
      tpu.enqueue_indirect_dma source(%arg16 : memref<128x128xf32, #tpu.memory_space<vmem>>) target(%dma_start3A_164 : memref<10000x128xf32, #tpu.memory_space<vmem_shared>>) offsets(%arg12 : memref<128xi32, #tpu.memory_space<vmem>>) semaphore(%arg21 : memref<!tpu.dma_semaphore, #tpu.memory_space<semaphore_mem>>) {add = true}
      %add3A_165 = arith.constant 2 : i32
      %add3A_166 = arith.addi %add3A_134, %add3A_165 : i32
      %lt3A_167 = arith.constant 80 : i32
      %lt3A_168 = arith.cmpi slt, %add3A_166, %lt3A_167 : i32
      %convert_element_type3A_169 = arith.extui %lt3A_168 : i1 to i32
      %cond3A_170 = arith.constant 0 : i32
      %cond3A_171 = arith.cmpi ne, %convert_element_type3A_169, %cond3A_170 : i32
      scf.if %cond3A_171 {
        %add3A_172 = arith.constant 2 : i32
        %add3A_173 = arith.addi %add3A_134, %add3A_172 : i32
        %mul3A_174 = arith.constant 80 : i32
        %mul3A_175 = arith.muli %add3A, %mul3A_174 : i32
        %add3A_176 = arith.addi %mul3A_175, %add3A_173 : i32
        %mul3A_177 = arith.constant 128 : i32
        %mul3A_178 = arith.muli %add3A_176, %mul3A_177 : i32
        %multiple_of3A_179 = tpu.assume_multiple %mul3A_178, 128 : i32
        %dma_start3A_180 = tpu.memref_slice %arg2[%multiple_of3A_179] : memref<327680xi32, #tpu.memory_space<hbm>> -> memref<128xi32, #tpu.memory_space<hbm>>
        %dma_start3A_181 = tpu.memref_slice %arg2[%multiple_of3A_179] : memref<327680xi32, #tpu.memory_space<hbm>> -> memref<128xi32, #tpu.memory_space<hbm>>
        tpu.enqueue_dma source(%dma_start3A_181 : memref<128xi32, #tpu.memory_space<hbm>>) target(%arg10 : memref<128xi32, #tpu.memory_space<vmem>>) target_semaphore(%arg23 : memref<!tpu.dma_semaphore, #tpu.memory_space<semaphore_mem>>)
        %dma_start3A_182 = tpu.memref_slice %arg4[%multiple_of3A_179] : memref<327680xf32, #tpu.memory_space<hbm>> -> memref<128xf32, #tpu.memory_space<hbm>>
        %dma_start3A_183 = tpu.memref_slice %arg4[%multiple_of3A_179] : memref<327680xf32, #tpu.memory_space<hbm>> -> memref<128xf32, #tpu.memory_space<hbm>>
        tpu.enqueue_dma source(%dma_start3A_183 : memref<128xf32, #tpu.memory_space<hbm>>) target(%arg14 : memref<128xf32, #tpu.memory_space<vmem>>) target_semaphore(%arg23 : memref<!tpu.dma_semaphore, #tpu.memory_space<semaphore_mem>>)
      } else {
      }
    }
    %scan3A_58 = arith.constant 40 : i32
    %dma_wait3A_59 = arith.constant 0 : i32
    %dma_wait3A_60 = arith.constant 0 : i32
    %dma_wait3A_61 = tpu.memref_slice %arg8[%dma_wait3A_59, %dma_wait3A_60] : memref<10000x128xf32, #tpu.memory_space<vmem_shared>> -> memref<10000x128xf32, #tpu.memory_space<vmem_shared>>
    tpu.wait_indirect_dma semaphore(%arg21 : memref<!tpu.dma_semaphore, #tpu.memory_space<semaphore_mem>>) src(%arg16 : memref<128x128xf32, #tpu.memory_space<vmem>>) dst(%dma_wait3A_61 : memref<10000x128xf32, #tpu.memory_space<vmem_shared>>)
    %barrier3A_62 = arith.constant 0 : index
    tpu.barrier barrier_id(%barrier3A_62)
    %sub3A_63 = arith.constant 25 : i32
    %sub3A_64 = arith.subi %sub3A_63, %arg1 : i32
    %sub3A_65 = arith.constant 16 : i32
    %sub3A_66 = arith.constant 1 : i32
    %sub3A_67 = arith.subi %sub3A_65, %sub3A_66 : i32
    %add3A_68 = arith.addi %sub3A_64, %sub3A_67 : i32
    %div3A_69 = arith.constant 16 : i32
    %div3A_70 = arith.divsi %add3A_68, %div3A_69 : i32
    %while3A_71 = arith.constant 16 : i32
    %while3A_72 = arith.constant 0 : i32
    %while3A_73 = arith.subi %div3A_70, %while3A_72 : i32
    %while3A_74 = arith.addi %while3A_72, %while3A_73 : i32
    %while3A_75 = arith.constant 1 : i32
    %while3A_76 = arith.divsi %while3A_73, %while3A_75 : i32
    %while3A_77 = arith.muli %while3A_76, %while3A_75 : i32
    %while3A_78 = arith.addi %while3A_72, %while3A_77 : i32
    %while3A_79 = arith.constant 1 : i32
    scf.for %while3A_81 = %while3A_72 to %while3A_78 step %while3A_79  : i32 {
      %mul3A_82 = arith.muli %while3A_81, %while3A_71 : i32
      %add3A_83 = arith.addi %arg1, %mul3A_82 : i32
      %mul3A_84 = arith.constant 400 : i32
      %mul3A_85 = arith.muli %add3A_83, %mul3A_84 : i32
      %multiple_of3A_86 = tpu.assume_multiple %mul3A_85, 400 : i32
      %dma_start3A_87 = arith.constant 0 : i32
      %dma_start3A_88 = tpu.memref_slice %arg7[%arg0, %multiple_of3A_86, %dma_start3A_87] : memref<2x10000x128xf32, #tpu.memory_space<hbm>> -> memref<1x400x128xf32, #tpu.memory_space<hbm>>
      %dma_start3A_89 = tpu.memref_squeeze %dma_start3A_88 : memref<1x400x128xf32, #tpu.memory_space<hbm>> -> memref<400x128xf32, #tpu.memory_space<hbm>>
      %dma_start3A_90 = arith.constant 0 : i32
      %dma_start3A_91 = tpu.memref_slice %arg8[%multiple_of3A_86, %dma_start3A_90] : memref<10000x128xf32, #tpu.memory_space<vmem_shared>> -> memref<400x128xf32, #tpu.memory_space<vmem_shared>>
      tpu.enqueue_dma source(%dma_start3A_91 : memref<400x128xf32, #tpu.memory_space<vmem_shared>>) target(%dma_start3A_89 : memref<400x128xf32, #tpu.memory_space<hbm>>) target_semaphore(%arg17 : memref<!tpu.dma_semaphore, #tpu.memory_space<semaphore_mem>>)
      %dma_wait3A_92 = arith.constant 0 : i32
      %dma_wait3A_93 = tpu.memref_slice %arg7[%arg0, %multiple_of3A_86, %dma_wait3A_92] : memref<2x10000x128xf32, #tpu.memory_space<hbm>> -> memref<1x400x128xf32, #tpu.memory_space<hbm>>
      %dma_wait3A_94 = tpu.memref_squeeze %dma_wait3A_93 : memref<1x400x128xf32, #tpu.memory_space<hbm>> -> memref<400x128xf32, #tpu.memory_space<hbm>>
      %dma_wait3A_95 = arith.constant 0 : i32
      %dma_wait3A_96 = tpu.memref_slice %arg8[%multiple_of3A_86, %dma_wait3A_95] : memref<10000x128xf32, #tpu.memory_space<vmem_shared>> -> memref<400x128xf32, #tpu.memory_space<vmem_shared>>
      tpu.wait_dma2 semaphore(%arg17 : memref<!tpu.dma_semaphore, #tpu.memory_space<semaphore_mem>>) src(%dma_wait3A_96 : memref<400x128xf32, #tpu.memory_space<vmem_shared>>) dst(%dma_wait3A_94 : memref<400x128xf32, #tpu.memory_space<hbm>>)
    }
    %while3A_80 = arith.constant 1 : i32
    scf.for %while3A_81 = %while3A_78 to %while3A_74 step %while3A_80  : i32 {
      %mul3A_82 = arith.muli %while3A_81, %while3A_71 : i32
      %add3A_83 = arith.addi %arg1, %mul3A_82 : i32
      %mul3A_84 = arith.constant 400 : i32
      %mul3A_85 = arith.muli %add3A_83, %mul3A_84 : i32
      %multiple_of3A_86 = tpu.assume_multiple %mul3A_85, 400 : i32
      %dma_start3A_87 = arith.constant 0 : i32
      %dma_start3A_88 = tpu.memref_slice %arg7[%arg0, %multiple_of3A_86, %dma_start3A_87] : memref<2x10000x128xf32, #tpu.memory_space<hbm>> -> memref<1x400x128xf32, #tpu.memory_space<hbm>>
      %dma_start3A_89 = tpu.memref_squeeze %dma_start3A_88 : memref<1x400x128xf32, #tpu.memory_space<hbm>> -> memref<400x128xf32, #tpu.memory_space<hbm>>
      %dma_start3A_90 = arith.constant 0 : i32
      %dma_start3A_91 = tpu.memref_slice %arg8[%multiple_of3A_86, %dma_start3A_90] : memref<10000x128xf32, #tpu.memory_space<vmem_shared>> -> memref<400x128xf32, #tpu.memory_space<vmem_shared>>
      tpu.enqueue_dma source(%dma_start3A_91 : memref<400x128xf32, #tpu.memory_space<vmem_shared>>) target(%dma_start3A_89 : memref<400x128xf32, #tpu.memory_space<hbm>>) target_semaphore(%arg17 : memref<!tpu.dma_semaphore, #tpu.memory_space<semaphore_mem>>)
      %dma_wait3A_92 = arith.constant 0 : i32
      %dma_wait3A_93 = tpu.memref_slice %arg7[%arg0, %multiple_of3A_86, %dma_wait3A_92] : memref<2x10000x128xf32, #tpu.memory_space<hbm>> -> memref<1x400x128xf32, #tpu.memory_space<hbm>>
      %dma_wait3A_94 = tpu.memref_squeeze %dma_wait3A_93 : memref<1x400x128xf32, #tpu.memory_space<hbm>> -> memref<400x128xf32, #tpu.memory_space<hbm>>
      %dma_wait3A_95 = arith.constant 0 : i32
      %dma_wait3A_96 = tpu.memref_slice %arg8[%multiple_of3A_86, %dma_wait3A_95] : memref<10000x128xf32, #tpu.memory_space<vmem_shared>> -> memref<400x128xf32, #tpu.memory_space<vmem_shared>>
      tpu.wait_dma2 semaphore(%arg17 : memref<!tpu.dma_semaphore, #tpu.memory_space<semaphore_mem>>) src(%dma_wait3A_96 : memref<400x128xf32, #tpu.memory_space<vmem_shared>>) dst(%dma_wait3A_94 : memref<400x128xf32, #tpu.memory_space<hbm>>)
    }
    return
  }
}

module attributes {stable_mosaic.version = 14 : i64} {
  func.func @body(%arg0: i32, %arg1: memref<2000x128xf32, #tpu.memory_space<vmem>>, %arg2: memref<128x128xf32, #tpu.memory_space<vmem>>, %arg3: memref<2x2000x16xf32, #tpu.memory_space<vmem>>, %arg4: memref<2000x128xf32, #tpu.memory_space<vmem>>) attributes {dimension_semantics = [#tpu.dimension_semantics<arbitrary>], iteration_bounds = array<i64: 5>, scalar_prefetch = 0 : i64, scratch_operands = 0 : i64, tpu.core_type = #tpu.core_type<tc>, window_params = [{transform_indices = @transform_0, window_bounds = array<i64: 2000, 128>}, {pipeline_mode = #tpu.pipeline_mode<synchronous>, transform_indices = @transform_1, window_bounds = array<i64: 128, 128>}, {transform_indices = @transform_2, window_bounds = array<i64: 2, 2000, 16>}, {transform_indices = @transform_3, window_bounds = array<i64: 2000, 128>}]} {
    %get3A = arith.constant 0 : index
    %get3A_0 = arith.constant 0 : index
    %get3A_1 = vector.load %arg1[%get3A, %get3A_0] : memref<2000x128xf32, #tpu.memory_space<vmem>>, vector<2000x128xf32>
    %get3A_2 = arith.constant 0 : index
    %get3A_3 = arith.constant 0 : index
    %get3A_4 = vector.load %arg2[%get3A_2, %get3A_3] : memref<128x128xf32, #tpu.memory_space<vmem>>, vector<128x128xf32>
    %dot_general3A = arith.constant dense<0.000000e+00> : vector<2000x128xf32>
    %dot_general3A_5 = tpu.matmul %get3A_1, %get3A_4, %dot_general3A {dimension_numbers = #tpu.dot_dimension_numbers<[1], [0], [0], [1], [0, 0, 1, 1], [], []>, transpose_lhs_hint = false} : vector<2000x128xf32>, vector<128x128xf32>, vector<2000x128xf32> -> vector<2000x128xf32>
    %get3A_6 = arith.constant 0 : index
    %get3A_7 = arith.constant 0 : index
    %get3A_8 = arith.constant 0 : index
    %get3A_9 = vector.load %arg3[%get3A_6, %get3A_7, %get3A_8] : memref<2x2000x16xf32, #tpu.memory_space<vmem>>, vector<1x2000x16xf32>
    %get3A_10 = vector.shape_cast %get3A_9 : vector<1x2000x16xf32> to vector<2000x16xf32>
    %get3A_11 = arith.constant 1 : index
    %get3A_12 = arith.constant 0 : index
    %get3A_13 = arith.constant 0 : index
    %get3A_14 = vector.load %arg3[%get3A_11, %get3A_12, %get3A_13] : memref<2x2000x16xf32, #tpu.memory_space<vmem>>, vector<1x2000x16xf32>
    %get3A_15 = vector.shape_cast %get3A_14 : vector<1x2000x16xf32> to vector<2000x16xf32>
    %add3A = arith.addf %get3A_10, %get3A_15 : vector<2000x16xf32>
    %add3A_16 = arith.constant 1.000000e+00 : f32
    %add3A_17 = vector.broadcast %add3A_16 : f32 to vector<2000x16xf32>
    %add3A_18 = arith.addf %add3A, %add3A_17 : vector<2000x16xf32>
    %gt3A = arith.constant 0.000000e+00 : f32
    %gt3A_19 = vector.broadcast %gt3A : f32 to vector<2000x16xf32>
    %gt3A_20 = arith.cmpf ogt, %add3A_18, %gt3A_19 : vector<2000x16xf32>
    %max3A = arith.constant 9.99999935E-39 : f32
    %max3A_21 = vector.broadcast %max3A : f32 to vector<2000x16xf32>
    %max3A_22 = arith.maximumf %add3A_18, %max3A_21 : vector<2000x16xf32>
    %rsqrt3A = math.rsqrt %max3A_22 : vector<2000x16xf32>
    %jit3A = arith.constant 0.000000e+00 : f32
    %broadcast_in_dim3A = vector.broadcast %jit3A : f32 to vector<2000x16xf32>
    %select_n3A = arith.select %gt3A_20, %rsqrt3A, %broadcast_in_dim3A : vector<2000x16xi1>, vector<2000x16xf32>
    %slice3A = vector.extract_strided_slice %select_n3A {offsets = [0, 0], sizes = [2000, 1], strides = [1, 1]} : vector<2000x16xf32> to vector<2000x1xf32>
    %mul3A = vector.broadcast %slice3A : vector<2000x1xf32> to vector<2000x128xf32>
    %mul3A_23 = arith.mulf %dot_general3A_5, %mul3A : vector<2000x128xf32>
    %swap3A = arith.constant 0 : index
    %swap3A_24 = arith.constant 0 : index
    %swap3A_25 = vector.load %arg4[%swap3A, %swap3A_24] : memref<2000x128xf32, #tpu.memory_space<vmem>>, vector<2000x128xf32>
    tpu.vector_store %arg4[%swap3A, %swap3A_24], %mul3A_23 {strides = array<i32>} : memref<2000x128xf32, #tpu.memory_space<vmem>>, vector<2000x128xf32>,
    return
  }
  func.func @transform_0(%arg0: i32) -> (i32, i32) {
    %c0_i32 = arith.constant 0 : i32
    %c0_i32_0 = arith.constant 0 : i32
    return %arg0, %c0_i32 : i32, i32
  }
  func.func @transform_1(%arg0: i32) -> (i32, i32) {
    %c0_i32 = arith.constant 0 : i32
    %c0_i32_0 = arith.constant 0 : i32
    %c0_i32_1 = arith.constant 0 : i32
    return %c0_i32, %c0_i32_0 : i32, i32
  }
  func.func @transform_2(%arg0: i32) -> (i32, i32, i32) {
    %c0_i32 = arith.constant 0 : i32
    %c0_i32_0 = arith.constant 0 : i32
    %c0_i32_1 = arith.constant 0 : i32
    return %c0_i32, %arg0, %c0_i32_0 : i32, i32, i32
  }
  func.func @transform_3(%arg0: i32) -> (i32, i32) {
    %c0_i32 = arith.constant 0 : i32
    %c0_i32_0 = arith.constant 0 : i32
    return %arg0, %c0_i32 : i32, i32
  }
}

module attributes {stable_mosaic.version = 14 : i64} {
  func.func @body(%arg0: i32, %arg1: memref<2x2000x128xf32, #tpu.memory_space<vmem>>, %arg2: memref<2000x128xf32, #tpu.memory_space<vmem>>, %arg3: memref<2x2000x16xf32, #tpu.memory_space<vmem>>, %arg4: memref<1x128xf32, #tpu.memory_space<vmem>>, %arg5: memref<2000x128xf32, #tpu.memory_space<vmem>>) attributes {dimension_semantics = [#tpu.dimension_semantics<arbitrary>], iteration_bounds = array<i64: 5>, scalar_prefetch = 0 : i64, scratch_operands = 0 : i64, tpu.core_type = #tpu.core_type<tc>, window_params = [{transform_indices = @transform_0, window_bounds = array<i64: 2, 2000, 128>}, {transform_indices = @transform_1, window_bounds = array<i64: 2000, 128>}, {transform_indices = @transform_2, window_bounds = array<i64: 2, 2000, 16>}, {pipeline_mode = #tpu.pipeline_mode<synchronous>, transform_indices = @transform_3, window_bounds = array<i64: 1, 128>}, {transform_indices = @transform_4, window_bounds = array<i64: 2000, 128>}]} {
    %get3A = arith.constant 0 : index
    %get3A_0 = arith.constant 0 : index
    %get3A_1 = arith.constant 0 : index
    %get3A_2 = vector.load %arg1[%get3A, %get3A_0, %get3A_1] : memref<2x2000x128xf32, #tpu.memory_space<vmem>>, vector<1x2000x128xf32>
    %get3A_3 = vector.shape_cast %get3A_2 : vector<1x2000x128xf32> to vector<2000x128xf32>
    %get3A_4 = arith.constant 1 : index
    %get3A_5 = arith.constant 0 : index
    %get3A_6 = arith.constant 0 : index
    %get3A_7 = vector.load %arg1[%get3A_4, %get3A_5, %get3A_6] : memref<2x2000x128xf32, #tpu.memory_space<vmem>>, vector<1x2000x128xf32>
    %get3A_8 = vector.shape_cast %get3A_7 : vector<1x2000x128xf32> to vector<2000x128xf32>
    %add3A = arith.addf %get3A_3, %get3A_8 : vector<2000x128xf32>
    %get3A_9 = arith.constant 0 : index
    %get3A_10 = arith.constant 0 : index
    %get3A_11 = vector.load %arg2[%get3A_9, %get3A_10] : memref<2000x128xf32, #tpu.memory_space<vmem>>, vector<2000x128xf32>
    %add3A_12 = arith.addf %add3A, %get3A_11 : vector<2000x128xf32>
    %get3A_13 = arith.constant 0 : index
    %get3A_14 = arith.constant 0 : index
    %get3A_15 = arith.constant 0 : index
    %get3A_16 = vector.load %arg3[%get3A_13, %get3A_14, %get3A_15] : memref<2x2000x16xf32, #tpu.memory_space<vmem>>, vector<1x2000x16xf32>
    %get3A_17 = vector.shape_cast %get3A_16 : vector<1x2000x16xf32> to vector<2000x16xf32>
    %get3A_18 = arith.constant 1 : index
    %get3A_19 = arith.constant 0 : index
    %get3A_20 = arith.constant 0 : index
    %get3A_21 = vector.load %arg3[%get3A_18, %get3A_19, %get3A_20] : memref<2x2000x16xf32, #tpu.memory_space<vmem>>, vector<1x2000x16xf32>
    %get3A_22 = vector.shape_cast %get3A_21 : vector<1x2000x16xf32> to vector<2000x16xf32>
    %add3A_23 = arith.addf %get3A_17, %get3A_22 : vector<2000x16xf32>
    %add3A_24 = arith.constant 1.000000e+00 : f32
    %add3A_25 = vector.broadcast %add3A_24 : f32 to vector<2000x16xf32>
    %add3A_26 = arith.addf %add3A_23, %add3A_25 : vector<2000x16xf32>
    %gt3A = arith.constant 0.000000e+00 : f32
    %gt3A_27 = vector.broadcast %gt3A : f32 to vector<2000x16xf32>
    %gt3A_28 = arith.cmpf ogt, %add3A_26, %gt3A_27 : vector<2000x16xf32>
    %max3A = arith.constant 9.99999935E-39 : f32
    %max3A_29 = vector.broadcast %max3A : f32 to vector<2000x16xf32>
    %max3A_30 = arith.maximumf %add3A_26, %max3A_29 : vector<2000x16xf32>
    %rsqrt3A = math.rsqrt %max3A_30 : vector<2000x16xf32>
    %jit3A = arith.constant 0.000000e+00 : f32
    %broadcast_in_dim3A = vector.broadcast %jit3A : f32 to vector<2000x16xf32>
    %select_n3A = arith.select %gt3A_28, %rsqrt3A, %broadcast_in_dim3A : vector<2000x16xi1>, vector<2000x16xf32>
    %slice3A = vector.extract_strided_slice %select_n3A {offsets = [0, 0], sizes = [2000, 1], strides = [1, 1]} : vector<2000x16xf32> to vector<2000x1xf32>
    %mul3A = vector.broadcast %slice3A : vector<2000x1xf32> to vector<2000x128xf32>
    %mul3A_31 = arith.mulf %add3A_12, %mul3A : vector<2000x128xf32>
    %get3A_32 = arith.constant 0 : index
    %get3A_33 = arith.constant 0 : index
    %get3A_34 = vector.load %arg4[%get3A_32, %get3A_33] : memref<1x128xf32, #tpu.memory_space<vmem>>, vector<1x128xf32>
    %add3A_35 = vector.broadcast %get3A_34 : vector<1x128xf32> to vector<2000x128xf32>
    %add3A_36 = arith.addf %mul3A_31, %add3A_35 : vector<2000x128xf32>
    %reduce_max3A = arith.constant dense<0xFF800000> : vector<2000xf32>
    %reduce_max3A_37 = vector.multi_reduction <maximumf>, %add3A_36, %reduce_max3A [1] : vector<2000x128xf32> to vector<2000xf32>
    %broadcast_in_dim3A_38 = vector.shape_cast %reduce_max3A_37 : vector<2000xf32> to vector<2000x1xf32>
    %sub3A = vector.broadcast %broadcast_in_dim3A_38 : vector<2000x1xf32> to vector<2000x128xf32>
    %sub3A_39 = arith.subf %add3A_36, %sub3A : vector<2000x128xf32>
    %exp3A = math.exp %sub3A_39 : vector<2000x128xf32>
    %reduce_sum3A = arith.constant dense<0.000000e+00> : vector<2000xf32>
    %reduce_sum3A_40 = vector.multi_reduction <add>, %exp3A, %reduce_sum3A [1] : vector<2000x128xf32> to vector<2000xf32>
    %broadcast_in_dim3A_41 = vector.shape_cast %reduce_sum3A_40 : vector<2000xf32> to vector<2000x1xf32>
    %log3A = math.log %broadcast_in_dim3A_41 : vector<2000x1xf32>
    %add3A_42 = arith.addf %broadcast_in_dim3A_38, %log3A : vector<2000x1xf32>
    %sub3A_43 = vector.broadcast %add3A_42 : vector<2000x1xf32> to vector<2000x128xf32>
    %sub3A_44 = arith.subf %add3A_36, %sub3A_43 : vector<2000x128xf32>
    %swap3A = arith.constant 0 : index
    %swap3A_45 = arith.constant 0 : index
    %swap3A_46 = vector.load %arg5[%swap3A, %swap3A_45] : memref<2000x128xf32, #tpu.memory_space<vmem>>, vector<2000x128xf32>
    tpu.vector_store %arg5[%swap3A, %swap3A_45], %sub3A_44 {strides = array<i32>} : memref<2000x128xf32, #tpu.memory_space<vmem>>, vector<2000x128xf32>,
    return
  }
  func.func @transform_0(%arg0: i32) -> (i32, i32, i32) {
    %c0_i32 = arith.constant 0 : i32
    %c0_i32_0 = arith.constant 0 : i32
    %c0_i32_1 = arith.constant 0 : i32
    return %c0_i32, %arg0, %c0_i32_0 : i32, i32, i32
  }
  func.func @transform_1(%arg0: i32) -> (i32, i32) {
    %c0_i32 = arith.constant 0 : i32
    %c0_i32_0 = arith.constant 0 : i32
    return %arg0, %c0_i32 : i32, i32
  }
  func.func @transform_2(%arg0: i32) -> (i32, i32, i32) {
    %c0_i32 = arith.constant 0 : i32
    %c0_i32_0 = arith.constant 0 : i32
    %c0_i32_1 = arith.constant 0 : i32
    return %c0_i32, %arg0, %c0_i32_0 : i32, i32, i32
  }
  func.func @transform_3(%arg0: i32) -> (i32, i32) {
    %c0_i32 = arith.constant 0 : i32
    %c0_i32_0 = arith.constant 0 : i32
    %c0_i32_1 = arith.constant 0 : i32
    return %c0_i32, %c0_i32_0 : i32, i32
  }
  func.func @transform_4(%arg0: i32) -> (i32, i32) {
    %c0_i32 = arith.constant 0 : i32
    %c0_i32_0 = arith.constant 0 : i32
    return %arg0, %c0_i32 : i32, i32
  }
}

</mosaic_0001>

<sc_bundles>
// kernel: kernel.6.cloned.1.call-start
scs
__scs_entry_jumppad:
0x0: {  	(pc) =	sbr.rel $0x88, $3  }
0x1: {  	(tag) =	ssettag $0x0;
	lr =	simm.s32 $0x1  }
0x2: {  	[smem:$0x3F9C] =	sst lr;
	_ =	strace $0xD0000000  }
0x3: {  	_ = 	snop  }
0x4: {  	_ = 	snop  }
0x5: {  	_ = 	snop  }
0x6: {  	_ = 	snop  }
0x7: {  	_ = 	snop  }
__scs_overlays_trampoline_lowered:
0x8: {  	[smem:$0x3FAB] =	sst s0  }
0x9: {  	[smem:$0x3FAC] =	sst s1  }
0xa: {  	[smem:$0x3FAD] =	sst s2  }
0xb: {  	[smem:$0x3FAE] =	sst s3  }
0xc: {  	[smem:$0x3FAF] =	sst s4  }
0xd: {  	[smem:$0x3FB0] =	sst s5  }
0xe: {  	[smem:$0x3FB1] =	sst s6  }
0xf: {  	[smem:$0x3FB2] =	sst s7  }
0x10: {  	[smem:$0x3FB3] =	sst s8  }
0x11: {  	[smem:$0x3FB4] =	sst s9;
	s0 =	simm.s32 @!p0 $0x0  }
0x12: {  	s1 =	sld [smem:$0x3F9A];
	s0 =	simm.s32 @p0 $0x1  }
0x13: {  	[smem:$0x3FB5] =	sst s0;
	s0 =	simm.s32 @!p1 $0x0  }
0x14: {  	s2 =	sld [smem:$0x3F99];
	s0 =	simm.s32 @p1 $0x1  }
0x15: {  	[smem:$0x3FB6] =	sst s0;
	s0 =	simm.s32 @!p2 $0x0  }
0x16: {  	s3 =	sld [smem:$0x3FDB];
	s0 =	simm.s32 @p2 $0x1  }
0x17: {  	s4 =	simm.s32 $0x1BF5;
	[smem:$0x3FB8] =	sst s0  }
0x18: {  	s0 =	sld [smem:$0x3F9B];
	_ =	swait.ge [sflag:s4], $0x0  }
0x19: {  	s7 =	sld [smem:$0x3F9C]  }
0x1a: {  	s8 =	sadd.s32 $0xFFFFE003, lr  }
0x1b: {  	s9 =	sadd.s32 $0xFFFFFEF7, lr;
	s5 =	simm.s32 $0xFFFFFFFF;
	p2 =	slt.u32 s8, $0xFFFFF086  }
0x1c: {  	p1 =	slt.u32 s9, $0xF7A;
	s5 =	simm.s32 @!p2 $0x0  }
0x1d: {  	s5 =	simm.s32 @p1 $0x1;
	p0 =	seq.s32 s7, s2  }
0x1e: {  	s7 =	smul.u32 @!p0 $0xF7A, s2;
	p2 =	seq.s32 @!p0 s5, $0x0  }
0x1f: {  	s9 =	smul.u32 $0xF7A, s1;
	s8 =	simm.s32 @!p0 $0x1BF5;
	p2 =	por !p2, p0  }
0x20: {  	[sflag:s8] =	ssyncset.s32 @!p0 $0xFFFFF086;
	s6 =	sadd.s32 @!p0 s3, s7;
	s7 =	simm.s32 @!p0 $0x108  }
0x21: {  	s3 =	sadd.s32 s3, s9;
	s6 =	sadd.s32 @!p0 $0x88, s6;
	s7 =	simm.s32 @p2 $0x1082  }
0x22: {  	[simem:s7], [sflag:s8] =	dma.local @!p0 [hbm:s6], $0xF7A  }
0x23: {  	s9 =	sor.u32 $0xD0000000, s2;
	s6 =	simm.s32 $0x108;
	_ =	swait.ge @!p0 [sflag:s8], $0x0  }
0x24: {  	s3 =	sadd.s32 $0x88, s3;
	s6 =	simm.s32 @!p1 $0x1082;
	[sflag:s4] =	ssyncset.s32 $0xFFFFF086  }
0x25: {  	[simem:s6], [sflag:s4] =	dma.local [hbm:s3], $0xF7A  }
0x26: {  	[smem:$0x3F9C] =	sst s1;
	(tag) =	ssettag s2;
	_ =	strace s9  }
0x27: {  	s1 =	sld [smem:$0x3FAC]  }
0x28: {  	s2 =	sld [smem:$0x3FAD]  }
0x29: {  	s4 =	sld [smem:$0x3FAF]  }
0x2a: {  	p0 =	seq.s32 s5, $0x0;
	s5 =	sld [smem:$0x3FB0]  }
0x2b: {  	s6 =	sld [smem:$0x3FB1]  }
0x2c: {  	s7 =	sld [smem:$0x3FB2]  }
0x2d: {  	s3 =	simm.s32 $0x108;
	s8 =	sld [smem:$0x3FB3]  }
0x2e: {  	s3 =	simm.s32 @!p0 $0x1082;
	s9 =	sld [smem:$0x3FB4]  }
0x2f: {  	lr =	sadd.s32 s0, s3;
	s0 =	sld [smem:$0x3FAB]  }
0x30: {  	s3 =	sld [smem:$0x3FAE]  }
0x31: {  	[smem:$0x3FB7] =	sst s10  }
0x32: {  	s10 =	sld [smem:$0x3FB5];
	_ =	sdelay $0x3  }
0x33: {  	p0 =	seq.s32 s10, $0x1;
	s10 =	sld [smem:$0x3FB7];
	_ =	sdelay $0x3  }
0x34: {  	[smem:$0x3FB7] =	sst s10  }
0x35: {  	s10 =	sld [smem:$0x3FB6];
	_ =	sdelay $0x3  }
0x36: {  	p1 =	seq.s32 s10, $0x1;
	s10 =	sld [smem:$0x3FB7];
	_ =	sdelay $0x3  }
0x37: {  	[smem:$0x3FB7] =	sst s10  }
0x38: {  	s10 =	sld [smem:$0x3FB8]  }
0x39: {  	_ = 	snop;
	(pc) =	sbr.ind lr, $3  }
0x3a: {  	_ = 	snop  }
0x3b: {  	_ = 	snop  }
0x3c: {  	p2 =	seq.s32 s10, $0x1;
	s10 =	sld [smem:$0x3FB7]  }
0x3d: {  	_ =	shalt  }
0x3e: {  	_ =	shalt  }
0x3f: {  	_ =	shalt  }
0x40: {  	_ =	shalt  }
0x41: {  	_ =	shalt  }
0x42: {  	_ =	shalt  }
0x43: {  	_ =	shalt  }
0x44: {  	_ =	shalt  }
0x45: {  	_ =	shalt  }
0x46: {  	_ =	shalt  }
0x47: {  	_ =	shalt  }
0x48: {  	_ =	shalt  }
0x49: {  	_ =	shalt  }
0x4a: {  	_ =	shalt  }
0x4b: {  	_ =	shalt  }
0x4c: {  	_ =	shalt  }
0x4d: {  	_ =	shalt  }
0x4e: {  	_ =	shalt  }
0x4f: {  	_ =	shalt  }
0x50: {  	_ =	shalt  }
0x51: {  	_ =	shalt  }
0x52: {  	_ =	shalt  }
0x53: {  	_ =	shalt  }
0x54: {  	_ =	shalt  }
0x55: {  	_ =	shalt  }
0x56: {  	_ =	shalt  }
0x57: {  	_ =	shalt  }
0x58: {  	_ =	shalt  }
0x59: {  	_ =	shalt  }
0x5a: {  	_ =	shalt  }
0x5b: {  	_ =	shalt  }
0x5c: {  	_ =	shalt  }
0x5d: {  	_ =	shalt  }
0x5e: {  	_ =	shalt  }
0x5f: {  	_ =	shalt  }
0x60: {  	_ =	shalt  }
0x61: {  	_ =	shalt  }
0x62: {  	_ =	shalt  }
0x63: {  	_ =	shalt  }
0x64: {  	_ =	shalt  }
0x65: {  	_ =	shalt  }
0x66: {  	_ =	shalt  }
0x67: {  	_ =	shalt  }
0x68: {  	_ =	shalt  }
0x69: {  	_ =	shalt  }
0x6a: {  	_ =	shalt  }
0x6b: {  	_ =	shalt  }
0x6c: {  	_ =	shalt  }
0x6d: {  	_ =	shalt  }
0x6e: {  	_ =	shalt  }
0x6f: {  	_ =	shalt  }
0x70: {  	_ =	shalt  }
0x71: {  	_ =	shalt  }
0x72: {  	_ =	shalt  }
0x73: {  	_ =	shalt  }
0x74: {  	_ =	shalt  }
0x75: {  	_ =	shalt  }
0x76: {  	_ =	shalt  }
0x77: {  	_ =	shalt  }
0x78: {  	_ =	shalt  }
0x79: {  	_ =	shalt  }
0x7a: {  	_ =	shalt  }
0x7b: {  	_ =	shalt  }
0x7c: {  	_ =	shalt  }
0x7d: {  	_ =	shalt  }
0x7e: {  	_ =	shalt  }
0x7f: {  	_ =	shalt  }
0x80: {  	_ =	shalt  }
0x81: {  	_ =	shalt  }
0x82: {  	_ =	shalt  }
0x83: {  	_ =	shalt  }
0x84: {  	_ =	shalt  }
0x85: {  	_ =	shalt  }
0x86: {  	_ =	shalt  }
0x87: {  	_ =	shalt  }
.Lfunc_end0:
.L_simem_size_0:
called_computation_lowered:
.L_overlay_start_0:
0x88: {  	s2 =	sld [smem:$0x3FD9]  }
0x89: {  	s3 =	sld [smem:$0x3FFE];
	_ =	sdelay $0x1  }
0x8a: {  	s1 =	srdreg.scid  }
0x8b: {  	s0 =	sand.u32 $0x1, s1  }
0x8c: {  	s17 =	sshll.u32 s0, $0xA;
	s2 =	sadd.s32 s3, s2  }
0x8d: {  	s2 =	sadd.s32 s2, s17  }
0x8e: {  	[smem:$0x3FC3] =	sst s2  }
0x8f: {  	_ = 	snop  }
0x90: {  	s2 =	sld [smem:$0x3FD0];
	(tm) =	ssettm $0x1  }
0x91: {  	s18 =	sld [smem:$0x3FFB];
	_ =	sdelay $0x3  }
0x92: {  	_ =	strace s18  }
0x93: {  	s3 =	sld [smem:$0x3FFC];
	_ =	sdelay $0x3  }
0x94: {  	_ =	strace s3  }
0x95: {  	s3 =	sld [smem:$0x3FFD];
	_ =	sdelay $0x3  }
0x96: {  	_ =	strace s3  }
0x97: {  	_ =	strace $0x8FFFFFFF  }
0x98: {  	s19 =	sld [smem:$0x3FDB];
	_ =	sdelay $0x1  }
0x99: {  	s4 =	simm.s32 $_scs_section_size  }
0x9a: {  	s5 =	simm.s32 $_size__tile_overlayer_lowered;
	s6 =	simm.s32 $_tile_overlayer_lowered  }
0x9b: {  	s22 =	simm.s32 $0x1BFF;
	s21 =	sshll.u32 s6, $0x1;
	s3 =	sadd.s32 s4, s19  }
0x9c: {  	s7 =	simm.s32 $0x0;
	s20 =	sshll.u32 s5, $0x1;
	s5 =	sadd.s32 s21, s3  }
0x9d: {  	[timem:s7], [sflag:s22] =	dma.local [hbm:s5], s20  }
0x9e: {  	_ =	swait.ge [sflag:s22], s20  }
0x9f: {  	s4 =	ssub.s32 $0x0, s20;
	[sflag:s22] =	ssyncset.done $0x0  }
0xa0: {  	[sflag:s22] =	ssyncadd.s32 s4;
	_ =	sdelay $0x1  }
0xa1: {  	s23 =	simm.s32 $0x1B8B  }
0xa2: {  	_ =	swait.ge [sflag:s23], $0x1  }
0xa3: {  	[sflag:s23] =	ssyncset.done $0x0  }
0xa4: {  	s25 =	simm.s32 $0x1B8E;
	s24 =	sld [smem:$0x3FFE];
	[sflag:s23] =	ssyncadd.s32 $0xFFFFFFFF  }
0xa5: {  	s26 =	simm.s32 $execute0_lowered;
	[smem:$0x3FD2] =	sst s25  }
0xa6: {  	s5 =	sshll.u32 s26, $0x1;
	_ =	strace $0x80000046;
	[dreg:$0x1] =	wrdreg $0xFFFFFFFF  }
0xa7: {  	s28 =	simm.s32 $_size_execute0_lowered;
	s3 =	sadd.s32 s3, s5;
	[dreg:$0x0] =	wrdreg $0x0  }
0xa8: {  	s5 =	sshll.u32 s28, $0x1;
	[dreg:$0x2] =	wrdreg s3  }
0xa9: {  	[dreg:$0x3] =	wrdreg s5  }
0xaa: {  	[dreg:$0x4] =	wrdreg $0xC0  }
0xab: {  	_ =	task [dreg:s7], $0x5FFFF  }
0xac: {  	[dreg:$0x1] =	wrdreg $0xFFFFFFFF  }
0xad: {  	[dreg:$0x0] =	wrdreg $0x60  }
0xae: {  	[dreg:$0x2] =	wrdreg s24  }
0xaf: {  	[dreg:$0x3] =	wrdreg s2  }
0xb0: {  	[dreg:$0x4] =	wrdreg $0x0  }
0xb1: {  	[dreg:$0x5] =	wrdreg $0x9  }
0xb2: {  	_ =	task.clear_ibuf [dreg:s7], $0x6FFFF;
	_ =	strace $0x90000046  }
0xb3: {  	s29 =	simm.s32 $0x9;
	_ =	strace $0x80000048  }
0xb4: {  	_ =	swait.ge [sflag:s29], $0x1  }
0xb5: {  	[sflag:s29] =	ssyncadd.s32 $0xFFFFFFFF  }
0xb6: {  	_ =	strace $0x90000048  }
0xb7: {  	_ =	sfence  }
0xb8: {  	s30 =	sld [smem:$0x0];
	_ =	sdelay $0x2  }
0xb9: {  	s31 =	sshll.u32 s1, $0xD;
	s1 =	sshrl.u32 s1, $0x2  }
0xba: {  	s3 =	sand.u32 $0x4000, s31;
	s1 =	sadd.s32 s1, s30  }
0xbb: {  	s0 =	sor.u32 s3, s0;
	s1 =	sshll.u32 s1, $0x11  }
0xbc: {  	s0 =	sor.u32 s1, s0  }
0xbd: {  	s0 =	sadd.s32 $0x8F2B, s0  }
0xbe: {  	[sflag:s0] =	ssyncadd.remote.s32 $0x1  }
0xbf: {  	_ =	sfence.sel $0xFFFF  }
0xc0: {  	[dreg:$0x0] =	wrdreg $0xFFFFFFFF;
	(pc) =	sbr.abs _section_cstart, $3  }
0xc1: {  	[dreg:$0x1] =	wrdreg $0xFFFFFFFF  }
0xc2: {  	_ =	task.clear_ibuf [dreg:s7], $0x2FFFF;
	_ =	strace $0x9FFFFFFF  }
0xc3: {  	(tm) =	ssettm $0x7FFFFFFF  }
tec
execute0_lowered:
.L_overlay_start_1:
0x0: {  	(tag) =	ssettag $0x1  }
0x1: {  	s4 =	rddreg [dreg:$0x0]  }
0x2: {  	s1 =	srdreg.scid;
	s11 =	rddreg [dreg:$0x1]  }
0x3: {  	s0 =	stileid.u32;
	s2 =	rddreg [dreg:$0x2];
	s3 =	simm.s32 $0x0  }
0x4: {  	s15 =	simm.s32 $0x1;
	s16 =	simm.s32 $0x7710;
	s17 =	simm.s32 $0x7F10  }
0x5: {  	s18 =	simm.s32 $0x2;
	s19 =	simm.s32 $0x3;
	s20 =	simm.s32 $0x80  }
0x6: {  	s21 =	simm.s32 $0x2790;
	s22 =	simm.s32 $0x0;
	s5 =	sand.u32 $0x1, s1  }
0x7: {  	s28 =	sshll.u32 s0, $0x1;
	s1 =	rddreg [dreg:$0x3];
	s10 =	smul.u32 $0x1900, s0  }
0x8: {  	[smem:$0x7FF] =	sst s3;
	s29 =	ssub.s32 $0x28, s0;
	s12 =	smul.u32 $0x6400, s0  }
0x9: {  	s13 =	smul.u32 $0x320, s0;
	s14 =	sshll.u32 s0, $0x6;
	s6 =	sor.u32 s5, s28  }
0xa: {  	_ =	strace $0x80000047;
	s7 =	ssub.s32 $0x2, s5;
	s9 =	smul.u32 $0x27100, s5  }
0xb: {  	v0 =	vlaneseq.u32;
	s14 =	sor.u32 $0x1C01, s14;
	s6 =	smul.u32 $0x500, s6;
	s8 =	sshrl.u32 s7, $0x1  }
0xc: {  	v0 =	vmul.u32 $0x10, v0;
	s30 =	sshrl.u32 s12, $0x2;
	s12 =	simm.s32 $0x2710;
	s8 =	ssub.s32 s7, s8  }
0xd: {  	s7 =	sshrl.u32 s29, $0x4;
	s9 =	sadd.s32 s10, s9;
	s10 =	sadd.s32 s30, s2  }
0xe: {  	v1 =	vor.u32 $0x100, v0;
	s6 =	sadd.s32 s6, s4;
	s4 =	sadd.s32 $0x1F800, s4;
	s8 =	smax.u32 s8, $0x1  }
0xf: {  	v2 =	vor.u32 $0x200, v0;
	v3 =	vor.u32 $0x300, v0;
	v4 =	vor.u32 $0x400, v0;
	s31 =	sshrl.u32 s9, $0x3;
	s5 =	sadd.s32 $0xB800, s6;
	s6 =	sadd.s32 $0x1800, s6  }
0x10: {  	v5 =	vor.u32 $0x500, v0;
	v6 =	vor.u32 $0x600, v0;
	v7 =	vor.u32 $0x700, v0;
	s9 =	sadd.s32 s13, s4;
	s11 =	sadd.s32 s31, s11;
	s13 =	simm.s32 $0x4F10  }
.LBB2_1:
0x11: {  	[tilespmem:s12], [sflag:$0x2] =	stream.linear.gather [hbm4b:s5+s3], $0x2800, $0x38;
	[tilespmem:$0x8710] =	vst v63  }
0x12: {  	p0 =	sne.s32 s7, $0x1  }
.Ltmp0:
0x13: {  	s23 =	sshrl.u32 s10, $0x3;
	(pc) =	sbr.rel @!p0 .LBB2_3-.Ltmp0, $4  }
0x14: {  	[tilespmem:s13], [sflag:$0x3] =	stream.linear.gather [hbm4b:s6+s3], $0x2800, $0x38;
	[tilespmem:$0x8710] =	vst v63  }
0x15: {  	[spmem:s23], [sflag:s14] =	dma.local [hbm:s9], $0x320  }
0x16: {  	s24 =	sadd.s32 $0xFFFFFFFF, s7;
	_ =	swait.ge [sflag:s15], $0x320  }
0x17: {  	s25 =	sadd.s32 $0x19000, s10;
	s26 =	smov.u32 s9;
	[sflag:s15] =	ssyncset.done $0x0  }
.LBB2_2:
0x18: {  	s28 =	sshrl.u32 s25, $0x3  }
0x19: {  	[sflag:s15] =	ssyncadd.s32 $0xFFFFFCE0;
	s26 =	sadd.s32 $0x3200, s26;
	p1 =	sne.s32 s24, $0x1  }
0x1a: {  	[spmem:s28], [sflag:s14] =	dma.local [hbm:s26], $0x320  }
.Ltmp1:
0x1b: {  	_ = 	snop;
	(pc) =	sbr.rel @p1 .LBB2_2-.Ltmp1, $4  }
0x1c: {  	_ = 	snop  }
0x1d: {  	s24 =	sadd.s32 $0xFFFFFFFF, s24  }
0x1e: {  	_ =	swait.ge [sflag:s15], $0x320  }
0x1f: {  	s25 =	sadd.s32 $0x19000, s25;
	[sflag:s15] =	ssyncset.done $0x0  }
.LBB2_3:
0x20: {  	[sflag:s15] =	ssyncadd.s32 $0xFFFFFCE0;
	s24 =	simm.s32 $0x0  }
0x21: {  	[tilespmem:s16], [sflag:$0x1] =	stream.linear.gather [hbm4b:s4+s24], $0x800, $0x38;
	[tilespmem:$0x8710] =	vst v63  }
0x22: {  	_ =	swait.ge [sflag:s15], $0x800  }
0x23: {  	[sflag:s15] =	ssyncset.done $0x0  }
0x24: {  	[sflag:s15] =	ssyncadd.s32 $0xFFFFF800  }
0x25: {  	[tilespmem:s17], [sflag:$0x1] =	stream.linear.gather [hbm4b:s4+s24], $0x800, $0x38;
	[tilespmem:$0x8710] =	vst v63  }
0x26: {  	_ =	swait.ge [sflag:s15], $0x800  }
0x27: {  	[sflag:s15] =	ssyncset.done $0x0  }
0x28: {  	[sflag:s15] =	ssyncadd.s32 $0xFFFFF800  }
0x29: {  	_ =	swait.ge [sflag:s18], $0x2800  }
0x2a: {  	[sflag:s18] =	ssyncset.done $0x0  }
0x2b: {  	[sflag:s18] =	ssyncadd.s32 $0xFFFFD800  }
0x2c: {  	_ =	swait.ge [sflag:s19], $0x2800  }
0x2d: {  	[sflag:s19] =	ssyncset.done $0x0  }
0x2e: {  	[sflag:s19] =	ssyncadd.s32 $0xFFFFD800  }
0x2f: {  	[bflag:$0x0] =	sbarrier.arrive $0xFFFF  }
0x30: {  	v8 =	vld [tilespmem:$0x4F10];
	_ =	sdelay $0x4  }
0x31: {  	[tilespmem:v0+s16+$0x0] =	vst.idx.msk $0xffff, v8  }
0x32: {  	v8 =	vld [tilespmem:$0x4F20];
	_ =	sdelay $0x4  }
0x33: {  	[tilespmem:v1+s16+$0x0] =	vst.idx.msk $0xffff, v8  }
0x34: {  	v8 =	vld [tilespmem:$0x4F30];
	_ =	sdelay $0x4  }
0x35: {  	[tilespmem:v2+s16+$0x0] =	vst.idx.msk $0xffff, v8  }
0x36: {  	v8 =	vld [tilespmem:$0x4F40];
	_ =	sdelay $0x4  }
0x37: {  	[tilespmem:v3+s16+$0x0] =	vst.idx.msk $0xffff, v8  }
0x38: {  	v8 =	vld [tilespmem:$0x4F50];
	_ =	sdelay $0x4  }
0x39: {  	[tilespmem:v4+s16+$0x0] =	vst.idx.msk $0xffff, v8  }
0x3a: {  	v8 =	vld [tilespmem:$0x4F60];
	_ =	sdelay $0x4  }
0x3b: {  	[tilespmem:v5+s16+$0x0] =	vst.idx.msk $0xffff, v8  }
0x3c: {  	v8 =	vld [tilespmem:$0x4F70];
	_ =	sdelay $0x4  }
0x3d: {  	[tilespmem:v6+s16+$0x0] =	vst.idx.msk $0xffff, v8  }
0x3e: {  	v8 =	vld [tilespmem:$0x4F80];
	_ =	sdelay $0x4  }
0x3f: {  	[tilespmem:v7+s16+$0x0] =	vst.idx.msk $0xffff, v8  }
0x40: {  	[spmem:s2] =	stream.indirect.scatter.add.f32 [tilespmem:s16], [sflag:$0x2], $0x10, s12, s20, $0xb8;
	[tilespmem:$0x8710] =	vst v63  }
0x41: {  	v8 =	vld [tilespmem:$0x4F90];
	_ =	sdelay $0x4  }
0x42: {  	[tilespmem:v0+s17+$0x0] =	vst.idx.msk $0xffff, v8  }
0x43: {  	v8 =	vld [tilespmem:$0x4FA0];
	_ =	sdelay $0x4  }
0x44: {  	[tilespmem:v1+s17+$0x0] =	vst.idx.msk $0xffff, v8  }
0x45: {  	v8 =	vld [tilespmem:$0x4FB0];
	_ =	sdelay $0x4  }
0x46: {  	[tilespmem:v2+s17+$0x0] =	vst.idx.msk $0xffff, v8  }
0x47: {  	v8 =	vld [tilespmem:$0x4FC0];
	_ =	sdelay $0x4  }
0x48: {  	[tilespmem:v3+s17+$0x0] =	vst.idx.msk $0xffff, v8  }
0x49: {  	v8 =	vld [tilespmem:$0x4FD0];
	_ =	sdelay $0x4  }
0x4a: {  	[tilespmem:v4+s17+$0x0] =	vst.idx.msk $0xffff, v8  }
0x4b: {  	v8 =	vld [tilespmem:$0x4FE0];
	_ =	sdelay $0x4  }
0x4c: {  	[tilespmem:v5+s17+$0x0] =	vst.idx.msk $0xffff, v8  }
0x4d: {  	v8 =	vld [tilespmem:$0x4FF0];
	_ =	sdelay $0x4  }
0x4e: {  	[tilespmem:v6+s17+$0x0] =	vst.idx.msk $0xffff, v8  }
0x4f: {  	v8 =	vld [tilespmem:$0x5000];
	_ =	sdelay $0x4  }
0x50: {  	[tilespmem:v7+s17+$0x0] =	vst.idx.msk $0xffff, v8  }
0x51: {  	[spmem:s2] =	stream.indirect.scatter.add.f32 [tilespmem:s17], [sflag:$0x3], $0x10, s21, s20, $0xb8;
	[tilespmem:$0x8710] =	vst v63  }
0x52: {  	_ =	swait.ge [sflag:s18], $0x800  }
0x53: {  	[sflag:s18] =	ssyncset.done $0x0  }
0x54: {  	s31 =	simm.s32 $0x0;
	[sflag:s18] =	ssyncadd.s32 $0xFFFFF800  }
0x55: {  	v8 =	vld [tilespmem:s31+$0x5010];
	_ =	sdelay $0x4  }
0x56: {  	[tilespmem:v0+s16+$0x0] =	vst.idx.msk $0xffff, v8  }
0x57: {  	v8 =	vld [tilespmem:s31+$0x5020];
	_ =	sdelay $0x4  }
0x58: {  	[tilespmem:v1+s16+$0x0] =	vst.idx.msk $0xffff, v8  }
0x59: {  	v8 =	vld [tilespmem:s31+$0x5030];
	_ =	sdelay $0x4  }
0x5a: {  	[tilespmem:v2+s16+$0x0] =	vst.idx.msk $0xffff, v8  }
0x5b: {  	v8 =	vld [tilespmem:s31+$0x5040];
	_ =	sdelay $0x4  }
0x5c: {  	[tilespmem:v3+s16+$0x0] =	vst.idx.msk $0xffff, v8  }
0x5d: {  	v8 =	vld [tilespmem:s31+$0x5050];
	_ =	sdelay $0x4  }
0x5e: {  	[tilespmem:v4+s16+$0x0] =	vst.idx.msk $0xffff, v8  }
0x5f: {  	v8 =	vld [tilespmem:s31+$0x5060];
	_ =	sdelay $0x4  }
0x60: {  	[tilespmem:v5+s16+$0x0] =	vst.idx.msk $0xffff, v8  }
0x61: {  	v8 =	vld [tilespmem:s31+$0x5070];
	_ =	sdelay $0x4  }
0x62: {  	[tilespmem:v6+s16+$0x0] =	vst.idx.msk $0xffff, v8  }
0x63: {  	v8 =	vld [tilespmem:s31+$0x5080];
	_ =	sdelay $0x4  }
0x64: {  	s25 =	simm.s32 $0x2810;
	[tilespmem:v7+s16+$0x0] =	vst.idx.msk $0xffff, v8  }
0x65: {  	[spmem:s2] =	stream.indirect.scatter.add.f32 [tilespmem:s16], [sflag:$0x2], $0x10, s25, s20, $0xb8;
	[tilespmem:$0x8710] =	vst v63  }
0x66: {  	_ =	swait.ge [sflag:s19], $0x800  }
0x67: {  	[sflag:s19] =	ssyncset.done $0x0  }
0x68: {  	[sflag:s19] =	ssyncadd.s32 $0xFFFFF800  }
0x69: {  	v8 =	vld [tilespmem:s31+$0x5090];
	_ =	sdelay $0x4  }
0x6a: {  	[tilespmem:v0+s17+$0x0] =	vst.idx.msk $0xffff, v8  }
0x6b: {  	v8 =	vld [tilespmem:s31+$0x50A0];
	_ =	sdelay $0x4  }
0x6c: {  	[tilespmem:v1+s17+$0x0] =	vst.idx.msk $0xffff, v8  }
0x6d: {  	v8 =	vld [tilespmem:s31+$0x50B0];
	_ =	sdelay $0x4  }
0x6e: {  	[tilespmem:v2+s17+$0x0] =	vst.idx.msk $0xffff, v8  }
0x6f: {  	v8 =	vld [tilespmem:s31+$0x50C0];
	_ =	sdelay $0x4  }
0x70: {  	[tilespmem:v3+s17+$0x0] =	vst.idx.msk $0xffff, v8  }
0x71: {  	v8 =	vld [tilespmem:s31+$0x50D0];
	_ =	sdelay $0x4  }
0x72: {  	[tilespmem:v4+s17+$0x0] =	vst.idx.msk $0xffff, v8  }
0x73: {  	v8 =	vld [tilespmem:s31+$0x50E0];
	_ =	sdelay $0x4  }
0x74: {  	[tilespmem:v5+s17+$0x0] =	vst.idx.msk $0xffff, v8  }
0x75: {  	v8 =	vld [tilespmem:s31+$0x50F0];
	_ =	sdelay $0x4  }
0x76: {  	[tilespmem:v6+s17+$0x0] =	vst.idx.msk $0xffff, v8  }
0x77: {  	v8 =	vld [tilespmem:s31+$0x5100];
	_ =	sdelay $0x4  }
0x78: {  	s24 =	simm.s32 $0x400;
	s25 =	simm.s32 $0x2890;
	[tilespmem:v7+s17+$0x0] =	vst.idx.msk $0xffff, v8  }
.LBB2_4:
0x79: {  	[spmem:s2] =	stream.indirect.scatter.add.f32 [tilespmem:s17], [sflag:$0x3], $0x10, s25, s20, $0xb8;
	[tilespmem:$0x8710] =	vst v63  }
0x7a: {  	s25 =	smov.u32 s24  }
0x7b: {  	p1 =	sne.s32 s24, $0x9800;
	s24 =	sadd.s32 $0x400, s24;
	_ =	swait.ge [sflag:s18], $0x800  }
0x7c: {  	[sflag:s18] =	ssyncset.done $0x0  }
0x7d: {  	s25 =	sshra.s32 s25, $0x2;
	[sflag:s18] =	ssyncadd.s32 $0xFFFFF800  }
0x7e: {  	v8 =	vld [tilespmem:s25+$0x5010];
	_ =	sdelay $0x4  }
0x7f: {  	[tilespmem:v0+s16+$0x0] =	vst.idx.msk $0xffff, v8  }
0x80: {  	v8 =	vld [tilespmem:s25+$0x5020];
	_ =	sdelay $0x4  }
0x81: {  	[tilespmem:v1+s16+$0x0] =	vst.idx.msk $0xffff, v8  }
0x82: {  	v8 =	vld [tilespmem:s25+$0x5030];
	_ =	sdelay $0x4  }
0x83: {  	[tilespmem:v2+s16+$0x0] =	vst.idx.msk $0xffff, v8  }
0x84: {  	v8 =	vld [tilespmem:s25+$0x5040];
	_ =	sdelay $0x4  }
0x85: {  	[tilespmem:v3+s16+$0x0] =	vst.idx.msk $0xffff, v8  }
0x86: {  	v8 =	vld [tilespmem:s25+$0x5050];
	_ =	sdelay $0x4  }
0x87: {  	[tilespmem:v4+s16+$0x0] =	vst.idx.msk $0xffff, v8  }
0x88: {  	v8 =	vld [tilespmem:s25+$0x5060];
	_ =	sdelay $0x4  }
0x89: {  	[tilespmem:v5+s16+$0x0] =	vst.idx.msk $0xffff, v8  }
0x8a: {  	v8 =	vld [tilespmem:s25+$0x5070];
	_ =	sdelay $0x4  }
0x8b: {  	[tilespmem:v6+s16+$0x0] =	vst.idx.msk $0xffff, v8  }
0x8c: {  	v8 =	vld [tilespmem:s25+$0x5080];
	_ =	sdelay $0x4  }
0x8d: {  	s26 =	sadd.s32 $0x2810, s25;
	[tilespmem:v7+s16+$0x0] =	vst.idx.msk $0xffff, v8  }
0x8e: {  	[spmem:s2] =	stream.indirect.scatter.add.f32 [tilespmem:s16], [sflag:$0x2], $0x10, s26, s20, $0xb8;
	[tilespmem:$0x8710] =	vst v63  }
0x8f: {  	_ =	swait.ge [sflag:s19], $0x800  }
0x90: {  	[sflag:s19] =	ssyncset.done $0x0  }
0x91: {  	[sflag:s19] =	ssyncadd.s32 $0xFFFFF800  }
0x92: {  	v8 =	vld [tilespmem:s25+$0x5090];
	_ =	sdelay $0x4  }
0x93: {  	[tilespmem:v0+s17+$0x0] =	vst.idx.msk $0xffff, v8  }
0x94: {  	v8 =	vld [tilespmem:s25+$0x50A0];
	_ =	sdelay $0x4  }
0x95: {  	[tilespmem:v1+s17+$0x0] =	vst.idx.msk $0xffff, v8  }
0x96: {  	v8 =	vld [tilespmem:s25+$0x50B0];
	_ =	sdelay $0x4  }
0x97: {  	[tilespmem:v2+s17+$0x0] =	vst.idx.msk $0xffff, v8  }
0x98: {  	v8 =	vld [tilespmem:s25+$0x50C0];
	_ =	sdelay $0x4  }
0x99: {  	[tilespmem:v3+s17+$0x0] =	vst.idx.msk $0xffff, v8  }
0x9a: {  	v8 =	vld [tilespmem:s25+$0x50D0];
	_ =	sdelay $0x4  }
0x9b: {  	[tilespmem:v4+s17+$0x0] =	vst.idx.msk $0xffff, v8  }
0x9c: {  	v8 =	vld [tilespmem:s25+$0x50E0];
	_ =	sdelay $0x4  }
0x9d: {  	[tilespmem:v5+s17+$0x0] =	vst.idx.msk $0xffff, v8  }
0x9e: {  	v8 =	vld [tilespmem:s25+$0x50F0];
	_ =	sdelay $0x4  }
0x9f: {  	[tilespmem:v6+s17+$0x0] =	vst.idx.msk $0xffff, v8  }
0xa0: {  	v8 =	vld [tilespmem:s25+$0x5100]  }
.Ltmp2:
0xa1: {  	(pc) =	sbr.rel @p1 .LBB2_4-.Ltmp2, $2  }
0xa2: {  	_ =	sdelay $0x2  }
0xa3: {  	s25 =	sadd.s32 $0x2890, s25;
	[tilespmem:v7+s17+$0x0] =	vst.idx.msk $0xffff, v8  }
0xa4: {  	[spmem:s2] =	stream.indirect.scatter.add.f32 [tilespmem:s17], [sflag:$0x3], $0x10, s25, s20, $0xb8;
	[tilespmem:$0x8710] =	vst v63  }
0xa5: {  	_ =	swait.ge [sflag:s18], $0x800  }
0xa6: {  	[sflag:s18] =	ssyncset.done $0x0  }
0xa7: {  	[sflag:s18] =	ssyncadd.s32 $0xFFFFF800  }
0xa8: {  	_ =	swait.ge [sflag:s19], $0x800  }
0xa9: {  	[sflag:s19] =	ssyncset.done $0x0  }
.Ltmp3:
0xaa: {  	[sflag:s19] =	ssyncadd.s32 $0xFFFFF800;
	(pc) =	sbr.rel @!p0 .LBB2_7-.Ltmp3, $4  }
0xab: {  	[bflag:$0x0] =	sbarrier.arrive $0xFFFF  }
0xac: {  	[hbm:s11], [sflag:s14] =	dma.local [spmem:s23], $0x320  }
0xad: {  	s24 =	sadd.s32 $0x19000, s10;
	_ =	swait.ge [sflag:s15], $0x320  }
0xae: {  	s25 =	smov.u32 s11;
	s23 =	sadd.s32 $0xFFFFFFFF, s7;
	[sflag:s15] =	ssyncset.done $0x0  }
.LBB2_6:
0xaf: {  	s26 =	sshrl.u32 s24, $0x3  }
0xb0: {  	[sflag:s15] =	ssyncadd.s32 $0xFFFFFCE0;
	s25 =	sadd.s32 $0x3200, s25;
	p0 =	sne.s32 s23, $0x1  }
0xb1: {  	[hbm:s25], [sflag:s14] =	dma.local [spmem:s26], $0x320  }
.Ltmp4:
0xb2: {  	_ = 	snop;
	(pc) =	sbr.rel @p0 .LBB2_6-.Ltmp4, $4  }
0xb3: {  	_ = 	snop  }
0xb4: {  	s23 =	sadd.s32 $0xFFFFFFFF, s23  }
0xb5: {  	_ =	swait.ge [sflag:s15], $0x320  }
0xb6: {  	s24 =	sadd.s32 $0x19000, s24;
	[sflag:s15] =	ssyncset.done $0x0  }
.LBB2_7:
0xb7: {  	s22 =	sadd.s32 $0x1, s22  }
0xb8: {  	p0 =	sne.s32 s22, s8  }
.Ltmp5:
0xb9: {  	_ = 	snop;
	(pc) =	sbr.rel @p0 .LBB2_1-.Ltmp5, $2  }
0xba: {  	_ =	sdelay $0x2  }
0xbb: {  	[sflag:s15] =	ssyncadd.s32 $0xFFFFFCE0  }
0xbc: {  	_ =	sfence.sel $0x180000  }
0xbd: {  	[bflag:$0x0] =	sbarrier.arrive $0xFFFF  }
0xbe: {  	p0 =	sne.s32 s0, $0x0;
	_ =	strace $0x90000047  }
0xbf: {  	s0 =	sadd.s32 @!p0 $0x100000, s1;
	[bflag:$0x2] =	sbarrier.arrive $0xFFFF  }
0xc0: {  	[sflag:s0] =	ssyncadd.tile.s32 @!p0 $0x1;
	_ =	shalt  }
.Lfunc_end2:
_tile_overlayer_lowered:
.L_overlay_start_2:
0xc1: {  	(tag) =	ssettag $0x2  }
0xc2: {  	s0 =	rddreg [dreg:$0x0];
	s2 =	stileid.u32  }
0xc3: {  	s1 =	rddreg [dreg:$0x1];
	p0 =	sne.s32 s2, $0x0  }
0xc4: {  	s3 =	rddreg [dreg:$0x2];
	[bflag:$0x3] =	sbarrier.arrive $0xFFFF;
	s2 =	simm.s32 @!p0 $0x1C04  }
0xc5: {  	[timem:s3], [sflag:s2] =	dma.local @!p0 [hbm:s0], s1  }
0xc6: {  	s0 =	simm.s32 @!p0 $0x4  }
0xc7: {  	_ =	swait.ge @!p0 [sflag:s0], s1  }
0xc8: {  	s1 =	ssub.s32 @!p0 $0x0, s1;
	[sflag:s0] =	ssyncset.done @!p0 $0x0  }
0xc9: {  	[sflag:s0] =	ssyncadd.s32 @!p0 s1  }
0xca: {  	[bflag:$0x3] =	sbarrier.arrive $0xFFFF  }
0xcb: {  	_ =	shalt  }

// kernel: kernel.9.cloned.1.call-start
scs
__scs_entry_jumppad:
0x0: {  	(pc) =	sbr.rel $0x88, $3  }
0x1: {  	(tag) =	ssettag $0x0;
	lr =	simm.s32 $0x1  }
0x2: {  	[smem:$0x3F9C] =	sst lr;
	_ =	strace $0xD0000000  }
0x3: {  	_ = 	snop  }
0x4: {  	_ = 	snop  }
0x5: {  	_ = 	snop  }
0x6: {  	_ = 	snop  }
0x7: {  	_ = 	snop  }
__scs_overlays_trampoline_lowered:
0x8: {  	[smem:$0x3FAB] =	sst s0  }
0x9: {  	[smem:$0x3FAC] =	sst s1  }
0xa: {  	[smem:$0x3FAD] =	sst s2  }
0xb: {  	[smem:$0x3FAE] =	sst s3  }
0xc: {  	[smem:$0x3FAF] =	sst s4  }
0xd: {  	[smem:$0x3FB0] =	sst s5  }
0xe: {  	[smem:$0x3FB1] =	sst s6  }
0xf: {  	[smem:$0x3FB2] =	sst s7  }
0x10: {  	[smem:$0x3FB3] =	sst s8  }
0x11: {  	[smem:$0x3FB4] =	sst s9;
	s0 =	simm.s32 @!p0 $0x0  }
0x12: {  	s1 =	sld [smem:$0x3F9A];
	s0 =	simm.s32 @p0 $0x1  }
0x13: {  	[smem:$0x3FB5] =	sst s0;
	s0 =	simm.s32 @!p1 $0x0  }
0x14: {  	s2 =	sld [smem:$0x3F99];
	s0 =	simm.s32 @p1 $0x1  }
0x15: {  	[smem:$0x3FB6] =	sst s0;
	s0 =	simm.s32 @!p2 $0x0  }
0x16: {  	s3 =	sld [smem:$0x3FDB];
	s0 =	simm.s32 @p2 $0x1  }
0x17: {  	s4 =	simm.s32 $0x1BF5;
	[smem:$0x3FB8] =	sst s0  }
0x18: {  	s0 =	sld [smem:$0x3F9B];
	_ =	swait.ge [sflag:s4], $0x0  }
0x19: {  	s7 =	sld [smem:$0x3F9C]  }
0x1a: {  	s8 =	sadd.s32 $0xFFFFE003, lr  }
0x1b: {  	s9 =	sadd.s32 $0xFFFFFEF7, lr;
	s5 =	simm.s32 $0xFFFFFFFF;
	p2 =	slt.u32 s8, $0xFFFFF086  }
0x1c: {  	p1 =	slt.u32 s9, $0xF7A;
	s5 =	simm.s32 @!p2 $0x0  }
0x1d: {  	s5 =	simm.s32 @p1 $0x1;
	p0 =	seq.s32 s7, s2  }
0x1e: {  	s7 =	smul.u32 @!p0 $0xF7A, s2;
	p2 =	seq.s32 @!p0 s5, $0x0  }
0x1f: {  	s9 =	smul.u32 $0xF7A, s1;
	s8 =	simm.s32 @!p0 $0x1BF5;
	p2 =	por !p2, p0  }
0x20: {  	[sflag:s8] =	ssyncset.s32 @!p0 $0xFFFFF086;
	s6 =	sadd.s32 @!p0 s3, s7;
	s7 =	simm.s32 @!p0 $0x108  }
0x21: {  	s3 =	sadd.s32 s3, s9;
	s6 =	sadd.s32 @!p0 $0x88, s6;
	s7 =	simm.s32 @p2 $0x1082  }
0x22: {  	[simem:s7], [sflag:s8] =	dma.local @!p0 [hbm:s6], $0xF7A  }
0x23: {  	s9 =	sor.u32 $0xD0000000, s2;
	s6 =	simm.s32 $0x108;
	_ =	swait.ge @!p0 [sflag:s8], $0x0  }
0x24: {  	s3 =	sadd.s32 $0x88, s3;
	s6 =	simm.s32 @!p1 $0x1082;
	[sflag:s4] =	ssyncset.s32 $0xFFFFF086  }
0x25: {  	[simem:s6], [sflag:s4] =	dma.local [hbm:s3], $0xF7A  }
0x26: {  	[smem:$0x3F9C] =	sst s1;
	(tag) =	ssettag s2;
	_ =	strace s9  }
0x27: {  	s1 =	sld [smem:$0x3FAC]  }
0x28: {  	s2 =	sld [smem:$0x3FAD]  }
0x29: {  	s4 =	sld [smem:$0x3FAF]  }
0x2a: {  	p0 =	seq.s32 s5, $0x0;
	s5 =	sld [smem:$0x3FB0]  }
0x2b: {  	s6 =	sld [smem:$0x3FB1]  }
0x2c: {  	s7 =	sld [smem:$0x3FB2]  }
0x2d: {  	s3 =	simm.s32 $0x108;
	s8 =	sld [smem:$0x3FB3]  }
0x2e: {  	s3 =	simm.s32 @!p0 $0x1082;
	s9 =	sld [smem:$0x3FB4]  }
0x2f: {  	lr =	sadd.s32 s0, s3;
	s0 =	sld [smem:$0x3FAB]  }
0x30: {  	s3 =	sld [smem:$0x3FAE]  }
0x31: {  	[smem:$0x3FB7] =	sst s10  }
0x32: {  	s10 =	sld [smem:$0x3FB5];
	_ =	sdelay $0x3  }
0x33: {  	p0 =	seq.s32 s10, $0x1;
	s10 =	sld [smem:$0x3FB7];
	_ =	sdelay $0x3  }
0x34: {  	[smem:$0x3FB7] =	sst s10  }
0x35: {  	s10 =	sld [smem:$0x3FB6];
	_ =	sdelay $0x3  }
0x36: {  	p1 =	seq.s32 s10, $0x1;
	s10 =	sld [smem:$0x3FB7];
	_ =	sdelay $0x3  }
0x37: {  	[smem:$0x3FB7] =	sst s10  }
0x38: {  	s10 =	sld [smem:$0x3FB8]  }
0x39: {  	_ = 	snop;
	(pc) =	sbr.ind lr, $3  }
0x3a: {  	_ = 	snop  }
0x3b: {  	_ = 	snop  }
0x3c: {  	p2 =	seq.s32 s10, $0x1;
	s10 =	sld [smem:$0x3FB7]  }
0x3d: {  	_ =	shalt  }
0x3e: {  	_ =	shalt  }
0x3f: {  	_ =	shalt  }
0x40: {  	_ =	shalt  }
0x41: {  	_ =	shalt  }
0x42: {  	_ =	shalt  }
0x43: {  	_ =	shalt  }
0x44: {  	_ =	shalt  }
0x45: {  	_ =	shalt  }
0x46: {  	_ =	shalt  }
0x47: {  	_ =	shalt  }
0x48: {  	_ =	shalt  }
0x49: {  	_ =	shalt  }
0x4a: {  	_ =	shalt  }
0x4b: {  	_ =	shalt  }
0x4c: {  	_ =	shalt  }
0x4d: {  	_ =	shalt  }
0x4e: {  	_ =	shalt  }
0x4f: {  	_ =	shalt  }
0x50: {  	_ =	shalt  }
0x51: {  	_ =	shalt  }
0x52: {  	_ =	shalt  }
0x53: {  	_ =	shalt  }
0x54: {  	_ =	shalt  }
0x55: {  	_ =	shalt  }
0x56: {  	_ =	shalt  }
0x57: {  	_ =	shalt  }
0x58: {  	_ =	shalt  }
0x59: {  	_ =	shalt  }
0x5a: {  	_ =	shalt  }
0x5b: {  	_ =	shalt  }
0x5c: {  	_ =	shalt  }
0x5d: {  	_ =	shalt  }
0x5e: {  	_ =	shalt  }
0x5f: {  	_ =	shalt  }
0x60: {  	_ =	shalt  }
0x61: {  	_ =	shalt  }
0x62: {  	_ =	shalt  }
0x63: {  	_ =	shalt  }
0x64: {  	_ =	shalt  }
0x65: {  	_ =	shalt  }
0x66: {  	_ =	shalt  }
0x67: {  	_ =	shalt  }
0x68: {  	_ =	shalt  }
0x69: {  	_ =	shalt  }
0x6a: {  	_ =	shalt  }
0x6b: {  	_ =	shalt  }
0x6c: {  	_ =	shalt  }
0x6d: {  	_ =	shalt  }
0x6e: {  	_ =	shalt  }
0x6f: {  	_ =	shalt  }
0x70: {  	_ =	shalt  }
0x71: {  	_ =	shalt  }
0x72: {  	_ =	shalt  }
0x73: {  	_ =	shalt  }
0x74: {  	_ =	shalt  }
0x75: {  	_ =	shalt  }
0x76: {  	_ =	shalt  }
0x77: {  	_ =	shalt  }
0x78: {  	_ =	shalt  }
0x79: {  	_ =	shalt  }
0x7a: {  	_ =	shalt  }
0x7b: {  	_ =	shalt  }
0x7c: {  	_ =	shalt  }
0x7d: {  	_ =	shalt  }
0x7e: {  	_ =	shalt  }
0x7f: {  	_ =	shalt  }
0x80: {  	_ =	shalt  }
0x81: {  	_ =	shalt  }
0x82: {  	_ =	shalt  }
0x83: {  	_ =	shalt  }
0x84: {  	_ =	shalt  }
0x85: {  	_ =	shalt  }
0x86: {  	_ =	shalt  }
0x87: {  	_ =	shalt  }
.Lfunc_end0:
.L_simem_size_0:
called_computation.1_lowered:
.L_overlay_start_0:
0x88: {  	s2 =	sld [smem:$0x3FD9]  }
0x89: {  	s3 =	sld [smem:$0x3FFE];
	_ =	sdelay $0x1  }
0x8a: {  	s1 =	srdreg.scid  }
0x8b: {  	s0 =	sand.u32 $0x1, s1  }
0x8c: {  	s17 =	sshll.u32 s0, $0xA;
	s2 =	sadd.s32 s3, s2  }
0x8d: {  	s2 =	sadd.s32 s2, s17  }
0x8e: {  	[smem:$0x3FC3] =	sst s2  }
0x8f: {  	_ = 	snop  }
0x90: {  	s2 =	sld [smem:$0x3FD0];
	(tm) =	ssettm $0x1  }
0x91: {  	s18 =	sld [smem:$0x3FFB];
	_ =	sdelay $0x3  }
0x92: {  	_ =	strace s18  }
0x93: {  	s3 =	sld [smem:$0x3FFC];
	_ =	sdelay $0x3  }
0x94: {  	_ =	strace s3  }
0x95: {  	s3 =	sld [smem:$0x3FFD];
	_ =	sdelay $0x3  }
0x96: {  	_ =	strace s3  }
0x97: {  	_ =	strace $0x8FFFFFFF  }
0x98: {  	s19 =	sld [smem:$0x3FDB];
	_ =	sdelay $0x1  }
0x99: {  	s4 =	simm.s32 $_scs_section_size  }
0x9a: {  	s5 =	simm.s32 $_size__tile_overlayer_lowered;
	s6 =	simm.s32 $_tile_overlayer_lowered  }
0x9b: {  	s22 =	simm.s32 $0x1BFF;
	s21 =	sshll.u32 s6, $0x1;
	s3 =	sadd.s32 s4, s19  }
0x9c: {  	s7 =	simm.s32 $0x0;
	s20 =	sshll.u32 s5, $0x1;
	s5 =	sadd.s32 s21, s3  }
0x9d: {  	[timem:s7], [sflag:s22] =	dma.local [hbm:s5], s20  }
0x9e: {  	_ =	swait.ge [sflag:s22], s20  }
0x9f: {  	s4 =	ssub.s32 $0x0, s20;
	[sflag:s22] =	ssyncset.done $0x0  }
0xa0: {  	[sflag:s22] =	ssyncadd.s32 s4;
	_ =	sdelay $0x1  }
0xa1: {  	s23 =	simm.s32 $0x1B8B  }
0xa2: {  	_ =	swait.ge [sflag:s23], $0x1  }
0xa3: {  	[sflag:s23] =	ssyncset.done $0x0  }
0xa4: {  	s25 =	simm.s32 $0x1B8E;
	s24 =	sld [smem:$0x3FFE];
	[sflag:s23] =	ssyncadd.s32 $0xFFFFFFFF  }
0xa5: {  	s26 =	simm.s32 $execute0_lowered;
	[smem:$0x3FD2] =	sst s25  }
0xa6: {  	s5 =	sshll.u32 s26, $0x1;
	_ =	strace $0x80000049;
	[dreg:$0x1] =	wrdreg $0xFFFFFFFF  }
0xa7: {  	s28 =	simm.s32 $_size_execute0_lowered;
	s3 =	sadd.s32 s3, s5;
	[dreg:$0x0] =	wrdreg $0x0  }
0xa8: {  	s5 =	sshll.u32 s28, $0x1;
	[dreg:$0x2] =	wrdreg s3  }
0xa9: {  	[dreg:$0x3] =	wrdreg s5  }
0xaa: {  	[dreg:$0x4] =	wrdreg $0xC0  }
0xab: {  	_ =	task [dreg:s7], $0x5FFFF  }
0xac: {  	[dreg:$0x1] =	wrdreg $0xFFFFFFFF  }
0xad: {  	[dreg:$0x0] =	wrdreg $0x60  }
0xae: {  	[dreg:$0x2] =	wrdreg s24  }
0xaf: {  	[dreg:$0x3] =	wrdreg s2  }
0xb0: {  	[dreg:$0x4] =	wrdreg $0x0  }
0xb1: {  	[dreg:$0x5] =	wrdreg $0x9  }
0xb2: {  	_ =	task.clear_ibuf [dreg:s7], $0x6FFFF;
	_ =	strace $0x90000049  }
0xb3: {  	s29 =	simm.s32 $0x9;
	_ =	strace $0x8000004B  }
0xb4: {  	_ =	swait.ge [sflag:s29], $0x1  }
0xb5: {  	[sflag:s29] =	ssyncadd.s32 $0xFFFFFFFF  }
0xb6: {  	_ =	strace $0x9000004B  }
0xb7: {  	_ =	sfence  }
0xb8: {  	s30 =	sld [smem:$0x0];
	_ =	sdelay $0x2  }
0xb9: {  	s31 =	sshll.u32 s1, $0xD;
	s1 =	sshrl.u32 s1, $0x2  }
0xba: {  	s3 =	sand.u32 $0x4000, s31;
	s1 =	sadd.s32 s1, s30  }
0xbb: {  	s0 =	sor.u32 s3, s0;
	s1 =	sshll.u32 s1, $0x11  }
0xbc: {  	s0 =	sor.u32 s1, s0  }
0xbd: {  	s0 =	sadd.s32 $0x8F2B, s0  }
0xbe: {  	[sflag:s0] =	ssyncadd.remote.s32 $0x1  }
0xbf: {  	_ =	sfence.sel $0xFFFF  }
0xc0: {  	[dreg:$0x0] =	wrdreg $0xFFFFFFFF;
	(pc) =	sbr.abs _section_cstart, $3  }
0xc1: {  	[dreg:$0x1] =	wrdreg $0xFFFFFFFF  }
0xc2: {  	_ =	task.clear_ibuf [dreg:s7], $0x2FFFF;
	_ =	strace $0x9FFFFFFF  }
0xc3: {  	(tm) =	ssettm $0x7FFFFFFF  }
tec
execute0_lowered:
.L_overlay_start_1:
0x0: {  	(tag) =	ssettag $0x1  }
0x1: {  	s0 =	rddreg [dreg:$0x0]  }
0x2: {  	s2 =	rddreg [dreg:$0x1]  }
0x3: {  	s3 =	rddreg [dreg:$0x2];
	s17 =	simm.s32 $0x0;
	s13 =	stileid.u32  }
0x4: {  	s1 =	srdreg.scid;
	s28 =	simm.s32 $0x13980;
	s30 =	simm.s32 $0x80  }
0x5: {  	s31 =	simm.s32 $0x13B80;
	s14 =	simm.s32 $0x9;
	[smem:$0x7FF] =	sst s17  }
0x6: {  	s4 =	smul.u32 $0x1900, s13;
	s1 =	sand.u32 $0x1, s1;
	s5 =	sadd.s32 $0x15800, s0  }
0x7: {  	s6 =	sadd.s32 $0xB800, s0;
	s9 =	smul.u32 $0xC800, s13;
	s7 =	sadd.s32 $0x1800, s0  }
0x8: {  	s10 =	sshll.u32 s13, $0x1;
	s19 =	ssub.s32 $0x28, s13;
	s26 =	smul.u32 $0x32000, s13  }
0x9: {  	s29 =	sshll.u32 s13, $0x6;
	s13 =	simm.s32 $0x4;
	_ =	strace $0x8000004A  }
0xa: {  	s8 =	smul.u32 $0x138800, s1;
	s15 =	ssub.s32 $0x2, s1;
	s1 =	sor.u32 s1, s10  }
0xb: {  	s19 =	sshrl.u32 s19, $0x4;
	s10 =	simm.s32 $0x17B80;
	s12 =	smul.u32 $0x500, s1  }
0xc: {  	s4 =	sadd.s32 s4, s0;
	s16 =	sshrl.u32 s15, $0x1;
	s11 =	smul.u32 $0x50, s1  }
0xd: {  	s1 =	sshrl.u32 s26, $0x2;
	s26 =	simm.s32 $0x13B00;
	[dreg:$0x5] =	wrdreg s19  }
0xe: {  	s8 =	sadd.s32 s9, s8;
	s18 =	ssub.s32 s15, s16;
	s4 =	sadd.s32 $0x6DA00, s4  }
0xf: {  	s9 =	simm.s32 $0x7;
	s8 =	sshrl.u32 s8, $0x3;
	s20 =	sadd.s32 s5, s12  }
0x10: {  	s21 =	sor.u32 $0x10, s12;
	s22 =	sadd.s32 s7, s12;
	[dreg:$0xc] =	wrdreg s4  }
0x11: {  	s25 =	sadd.s32 s6, s12;
	s15 =	sor.u32 $0x1, s11;
	[dreg:$0x6] =	wrdreg s20  }
0x12: {  	s16 =	sor.u32 $0x3, s11;
	s12 =	simm.s32 $0x3;
	[dreg:$0x7] =	wrdreg s22  }
0x13: {  	s0 =	sadd.s32 s8, s0;
	s23 =	sadd.s32 s5, s21;
	[dreg:$0xa] =	wrdreg s25  }
0x14: {  	s24 =	sadd.s32 s7, s21;
	s8 =	smax.u32 s18, $0x1;
	[dreg:$0x8] =	wrdreg s23  }
0x15: {  	s20 =	sadd.s32 s1, s3;
	s21 =	sor.u32 $0x1C01, s29;
	[dreg:$0x9] =	wrdreg s24  }
0x16: {  	s22 =	simm.s32 $0x1;
	s1 =	simm.s32 $0x13A00;
	[dreg:$0xb] =	wrdreg s8  }
0x17: {  	s0 =	sadd.s32 $0x94C00, s0;
	s24 =	simm.s32 $0x13A80;
	[dreg:$0xd] =	wrdreg s20  }
0x18: {  	s23 =	simm.s32 $0x8;
	[dreg:$0xe] =	wrdreg s0;
	s0 =	simm.s32 $0x2  }
.LBB2_1:
0x19: {  	[dreg:$0x4] =	wrdreg s17;
	p0 =	sne.s32 s19, $0x1  }
.Ltmp0:
0x1a: {  	s4 =	sshrl.u32 s20, $0x3;
	s18 =	rddreg [dreg:$0xc];
	(pc) =	sbr.rel @!p0 .LBB2_3-.Ltmp0, $4  }
0x1b: {  	[dreg:$0xf] =	wrdreg s4  }
0x1c: {  	[spmem:s4], [sflag:s21] =	dma.local [hbm:s18], $0x1900  }
0x1d: {  	_ =	swait.ge [sflag:s22], $0x1900  }
0x1e: {  	s8 =	sadd.s32 $0xFFFFFFFF, s19;
	s17 =	sadd.s32 $0xC8000, s20;
	[sflag:s22] =	ssyncset.done $0x0  }
.LBB2_2:
0x1f: {  	s4 =	sshrl.u32 s17, $0x3  }
0x20: {  	[sflag:s22] =	ssyncadd.s32 $0xFFFFE700;
	s18 =	sadd.s32 $0x19000, s18;
	p1 =	sne.s32 s8, $0x1  }
0x21: {  	[spmem:s4], [sflag:s21] =	dma.local [hbm:s18], $0x1900  }
.Ltmp1:
0x22: {  	_ = 	snop;
	(pc) =	sbr.rel @p1 .LBB2_2-.Ltmp1, $4  }
0x23: {  	_ = 	snop  }
0x24: {  	s8 =	sadd.s32 $0xFFFFFFFF, s8  }
0x25: {  	_ =	swait.ge [sflag:s22], $0x1900  }
0x26: {  	s17 =	sadd.s32 $0xC8000, s17;
	[sflag:s22] =	ssyncset.done $0x0  }
.LBB2_3:
0x27: {  	[sflag:s22] =	ssyncadd.s32 $0xFFFFE700  }
0x28: {  	s18 =	simm.s32 $0x0;
	s4 =	rddreg [dreg:$0x6];
	s8 =	simm.s32 $0x13880  }
0x29: {  	[tilespmem:s8], [sflag:$0x6] =	stream.linear.gather [hbm4b:s4+s18], $0x80, $0x38;
	[tilespmem:$0x1BB80] =	vst v63  }
0x2a: {  	s17 =	rddreg [dreg:$0x7]  }
0x2b: {  	[tilespmem:s24], [sflag:$0x6] =	stream.linear.gather [hbm4b:s17+s18], $0x80, $0x38;
	[tilespmem:$0x1BB80] =	vst v63  }
0x2c: {  	s19 =	rddreg [dreg:$0x8];
	s17 =	simm.s32 $0x13900  }
0x2d: {  	[tilespmem:s17], [sflag:$0x7] =	stream.linear.gather [hbm4b:s19+s18], $0x80, $0x38;
	[tilespmem:$0x1BB80] =	vst v63  }
0x2e: {  	s20 =	rddreg [dreg:$0x9]  }
0x2f: {  	[tilespmem:s26], [sflag:$0x7] =	stream.linear.gather [hbm4b:s20+s18], $0x80, $0x38;
	[tilespmem:$0x1BB80] =	vst v63  }
0x30: {  	s25 =	rddreg [dreg:$0xa];
	s29 =	simm.s32 $0x6  }
0x31: {  	[tilespmem:s28], [sflag:$0x8] =	stream.linear.gather [hbm4b:s25+s18], $0x80, $0x38;
	[tilespmem:$0x1BB80] =	vst v63  }
0x32: {  	_ =	swait.ge [sflag:s29], $0x80  }
0x33: {  	[sflag:s29] =	ssyncset.done $0x0  }
0x34: {  	[sflag:s29] =	ssyncadd.s32 $0xFFFFFF80  }
0x35: {  	_ =	swait.ge [sflag:s29], $0x80  }
0x36: {  	[sflag:s29] =	ssyncset.done $0x0  }
0x37: {  	[sflag:s29] =	ssyncadd.s32 $0xFFFFFF80  }
0x38: {  	[tilespmem:s31], [sflag:$0x2] =	stream.indirect.gather [hbm4b:s2+s30], $0x80, s8, s30, $0xb8;
	[tilespmem:$0x1BB80] =	vst v63  }
0x39: {  	s20 =	simm.s32 $0x0;
	[bflag:$0x0] =	sbarrier.arrive $0xFFFF  }
.LBB2_4:
0x3a: {  	_ =	swait.ge [sflag:s0], $0x4000  }
0x3b: {  	s8 =	sshll.u32 s20, $0x1;
	p1 =	seq.s32 s20, $0x0;
	[sflag:s0] =	ssyncset.done $0x0  }
0x3c: {  	s4 =	simm.s32 @!p1 $0x5;
	s17 =	sadd.s32 s8, s15;
	[sflag:s0] =	ssyncadd.s32 $0xFFFFC000  }
0x3d: {  	s17 =	sshll.u32 s17, $0x4;
	_ =	swait.ge @!p1 [sflag:s4], $0x4000  }
0x3e: {  	s17 =	sand.u32 $0x1FFFFFF0, s17;
	[sflag:s4] =	ssyncset.done @!p1 $0x0  }
0x3f: {  	s25 =	sadd.s32 s6, s17;
	s17 =	simm.s32 $0x2;
	[sflag:s4] =	ssyncadd.s32 @!p1 $0xFFFFC000  }
0x40: {  	v0 =	vmov s18;
	[tilespmem:s1], [sflag:$0x9] =	stream.linear.gather [hbm4b:s25+s18], $0x80, $0x38;
	[tilespmem:$0x1BB80] =	vst v63  }
0x41: {  	v0 =	vand.u32 $0xFFFFFFFC, v0;
	v1 =	vmov s17;
	_ =	swait.ge [sflag:s9], $0x80  }
0x42: {  	v0 =	vbroadcast v0, $0x0;
	v1 =	vand.u32 $0xFFFFFFFE, v1;
	[sflag:s9] =	ssyncset.done $0x0  }
0x43: {  	v1 =	vbroadcast v1, $0x0;
	[sflag:s9] =	ssyncadd.s32 $0xFFFFFF80  }
0x44: {  	_ =	swait.ge [sflag:s9], $0x80  }
0x45: {  	[sflag:s9] =	ssyncset.done $0x0  }
0x46: {  	s19 =	simm.s32 $0x13900;
	[sflag:s9] =	ssyncadd.s32 $0xFFFFFF80  }
0x47: {  	[tilespmem:s10], [sflag:$0x3] =	stream.indirect.gather [hbm4b:s2+s30], $0x80, s19, s30, $0xb8;
	[tilespmem:$0x1BB80] =	vst v63  }
0x48: {  	v0 =	vld.idx.msk [tilespmem:v0+s24+$0x0], $0xffff  }
0x49: {  	s19 =	simm.s32 $0x13C80;
	v1 =	vld.idx.msk [tilespmem:v1+s24+$0x0], $0xffff  }
0x4a: {  	s25 =	simm.s32 $0x1;
	v3 =	vld [tilespmem:s19+$0x70]  }
0x4b: {  	v2 =	vmov s25;
	v4 =	vld [tilespmem:s19+$0xFFFFFF00]  }
0x4c: {  	v2 =	vand.u32 $0xFFFFFFFD, v2;
	v5 =	vld [tilespmem:s19+$0xFFFFFF10]  }
0x4d: {  	v2 =	vbroadcast v2, $0x0;
	v6 =	vld [tilespmem:s19+$0xFFFFFF20]  }
0x4e: {  	v7 =	vld [tilespmem:s19+$0xFFFFFF30]  }
0x4f: {  	v8 =	vld [tilespmem:s19+$0xFFFFFF40]  }
0x50: {  	v9 =	vld [tilespmem:s19+$0xFFFFFF50]  }
0x51: {  	v10 =	vld [tilespmem:s19+$0xFFFFFF60];
	v4 =	vmul.f32 v4, v0  }
0x52: {  	v12 =	vld [tilespmem:s19+$0x40];
	v3 =	vmul.f32 v3, v1  }
0x53: {  	v2 =	vld.idx.msk [tilespmem:v2+s24+$0x0], $0xffff;
	[tilespmem:s19+$0xFFFFFF00] =	vst v4;
	v4 =	vmul.f32 v5, v0  }
0x54: {  	v5 =	vld [tilespmem:s19+$0xFFFFFF70];
	[tilespmem:s19+$0x70] =	vst v3;
	v3 =	vmul.f32 v6, v0  }
0x55: {  	v6 =	vld [tilespmem:s19+$0xFFFFFF80];
	[tilespmem:s19+$0xFFFFFF10] =	vst v4;
	v4 =	vmul.f32 v7, v0  }
0x56: {  	v7 =	vld [tilespmem:s19+$0xFFFFFF90];
	[tilespmem:s19+$0xFFFFFF20] =	vst v3;
	v3 =	vmul.f32 v8, v0  }
0x57: {  	v8 =	vld [tilespmem:s19+$0xFFFFFFA0];
	[tilespmem:s19+$0xFFFFFF30] =	vst v4;
	v4 =	vmul.f32 v9, v0  }
0x58: {  	v9 =	vld [tilespmem:s19+$0xFFFFFFB0];
	[tilespmem:s19+$0xFFFFFF40] =	vst v3;
	v3 =	vmul.f32 v10, v0  }
0x59: {  	v10 =	vld [tilespmem:s19+$0xFFFFFFC0];
	v5 =	vmul.f32 v5, v0;
	[tilespmem:s19+$0xFFFFFF50] =	vst v4  }
0x5a: {  	v4 =	vmul.f32 v6, v2;
	v6 =	vld [tilespmem:s19+$0xFFFFFFD0];
	[tilespmem:s19+$0xFFFFFF60] =	vst v3  }
0x5b: {  	s17 =	simm.s32 $0x3;
	v3 =	vld [tilespmem:s19+$0xFFFFFFE0];
	v7 =	vmul.f32 v7, v2;
	[tilespmem:s19+$0xFFFFFF70] =	vst v5  }
0x5c: {  	v11 =	vmov s17;
	v5 =	vld [tilespmem:s19+$0xFFFFFFF0];
	[tilespmem:s19+$0xFFFFFF80] =	vst v4;
	v4 =	vmul.f32 v8, v2  }
0x5d: {  	v8 =	vld [tilespmem:s19+$0x0];
	[tilespmem:s19+$0xFFFFFF90] =	vst v7;
	v7 =	vmul.f32 v9, v2  }
0x5e: {  	v9 =	vld [tilespmem:s19+$0x10];
	[tilespmem:s19+$0xFFFFFFA0] =	vst v4;
	v4 =	vmul.f32 v10, v2  }
0x5f: {  	[tilespmem:s19+$0xFFFFFFB0] =	vst v7;
	v6 =	vmul.f32 v6, v2;
	v7 =	vld [tilespmem:s19+$0x20]  }
0x60: {  	v10 =	vld [tilespmem:s19+$0x30];
	v3 =	vmul.f32 v3, v2;
	[tilespmem:s19+$0xFFFFFFC0] =	vst v4  }
0x61: {  	v0 =	vld.idx.msk [tilespmem:v11+s24+$0x0], $0xffff;
	v2 =	vmul.f32 v5, v2;
	[tilespmem:s19+$0xFFFFFFD0] =	vst v6  }
0x62: {  	[tilespmem:s19+$0xFFFFFFE0] =	vst v3;
	v4 =	vmul.f32 v8, v1;
	v3 =	vld [tilespmem:s19+$0x50]  }
0x63: {  	s25 =	simm.s32 $0x4;
	[tilespmem:s19+$0xFFFFFFF0] =	vst v2;
	v5 =	vmul.f32 v9, v1;
	v2 =	vld [tilespmem:s19+$0x60]  }
0x64: {  	s17 =	simm.s32 $0x7;
	v6 =	vmov s25;
	[tilespmem:s19+$0x0] =	vst v4;
	v8 =	vmul.f32 v7, v1;
	v7 =	vld [tilespmem:s19+$0x80]  }
0x65: {  	s25 =	simm.s32 $0x5;
	v11 =	vand.u32 $0xFFFFFFFC, v6;
	v6 =	vld [tilespmem:s19+$0x90];
	v4 =	vmov s17;
	v9 =	vmul.f32 v10, v1;
	[tilespmem:s19+$0x10] =	vst v5  }
0x66: {  	s29 =	simm.s32 $0x13C80;
	s4 =	simm.s32 $0x6;
	s17 =	simm.s32 $0x8;
	v10 =	vmul.f32 v12, v1;
	v5 =	vbroadcast v11, $0x0;
	v11 =	vmov s25;
	[tilespmem:s19+$0x20] =	vst v8;
	v8 =	vld [tilespmem:s19+$0xA0]  }
.LBB2_5:
0x67: {  	p1 =	slt.u32 s17, $0x7C;
	v11 =	vand.u32 $0xFFFFFFFD, v11;
	v12 =	vmov s4;
	[tilespmem:s19+$0x30] =	vst v9;
	v3 =	vmul.f32 v3, v1;
	v9 =	vld [tilespmem:s19+$0xB0]  }
0x68: {  	v11 =	vbroadcast v11, $0x0;
	v12 =	vand.u32 $0xFFFFFFFE, v12;
	[tilespmem:s19+$0x40] =	vst v10;
	v1 =	vmul.f32 v2, v1;
	v2 =	vld [tilespmem:s19+$0xC0]  }
0x69: {  	v10 =	vbroadcast v12, $0x0;
	[tilespmem:s19+$0x50] =	vst v3;
	v3 =	vmul.f32 v7, v0;
	v7 =	vld [tilespmem:s19+$0xD0]  }
0x6a: {  	[tilespmem:s19+$0x60] =	vst v1;
	v1 =	vmul.f32 v6, v0;
	v6 =	vld [tilespmem:s19+$0xE0]  }
0x6b: {  	[tilespmem:s19+$0x80] =	vst v3;
	v3 =	vmul.f32 v8, v0;
	v8 =	vld [tilespmem:s19+$0xF0]  }
0x6c: {  	v4 =	vld.idx.msk [tilespmem:v4+s24+$0x0], $0xffff;
	[tilespmem:s19+$0x90] =	vst v1;
	v1 =	vmul.f32 v9, v0  }
0x6d: {  	v5 =	vld.idx.msk [tilespmem:v5+s24+$0x0], $0xffff;
	[tilespmem:s19+$0xA0] =	vst v3;
	v2 =	vmul.f32 v2, v0  }
0x6e: {  	v3 =	vld.idx.msk [tilespmem:v11+s24+$0x0], $0xffff;
	[tilespmem:s19+$0xB0] =	vst v1;
	v7 =	vmul.f32 v7, v0  }
0x6f: {  	s19 =	sadd.s32 $0x200, s19;
	v1 =	vld.idx.msk [tilespmem:v10+s24+$0x0], $0xffff;
	[tilespmem:s29+$0xC0] =	vst v2;
	v2 =	vmul.f32 v6, v0  }
0x70: {  	v6 =	vld [tilespmem:s19+$0x70];
	[tilespmem:s29+$0xD0] =	vst v7;
	v8 =	vmul.f32 v8, v0  }
0x71: {  	v7 =	vld [tilespmem:s19+$0xFFFFFF00];
	[tilespmem:s29+$0xE0] =	vst v2  }
0x72: {  	v0 =	vmov v4;
	v2 =	vld [tilespmem:s19+$0xFFFFFF10];
	[tilespmem:s29+$0xF0] =	vst v8;
	s29 =	smov.u32 s19  }
0x73: {  	v4 =	vld [tilespmem:s19+$0xFFFFFF20]  }
0x74: {  	v8 =	vld [tilespmem:s19+$0xFFFFFF30]  }
0x75: {  	v9 =	vld [tilespmem:s19+$0xFFFFFF40];
	v6 =	vmul.f32 v6, v1  }
0x76: {  	v7 =	vmul.f32 v7, v5;
	v10 =	vld [tilespmem:s19+$0xFFFFFF50]  }
0x77: {  	v2 =	vmul.f32 v2, v5;
	v11 =	vld [tilespmem:s19+$0xFFFFFF60];
	[tilespmem:s19+$0x70] =	vst v6  }
0x78: {  	[tilespmem:s19+$0xFFFFFF00] =	vst v7;
	v4 =	vmul.f32 v4, v5;
	v6 =	vld [tilespmem:s19+$0xFFFFFF70]  }
0x79: {  	[tilespmem:s19+$0xFFFFFF10] =	vst v2;
	v2 =	vmul.f32 v8, v5;
	v7 =	vld [tilespmem:s19+$0xFFFFFF80]  }
0x7a: {  	[tilespmem:s19+$0xFFFFFF20] =	vst v4;
	v4 =	vmul.f32 v9, v5;
	v8 =	vld [tilespmem:s19+$0xFFFFFF90]  }
0x7b: {  	[tilespmem:s19+$0xFFFFFF30] =	vst v2;
	v2 =	vmul.f32 v10, v5;
	v9 =	vld [tilespmem:s19+$0xFFFFFFA0]  }
0x7c: {  	[tilespmem:s19+$0xFFFFFF40] =	vst v4;
	v4 =	vmul.f32 v11, v5;
	v10 =	vld [tilespmem:s19+$0xFFFFFFB0]  }
0x7d: {  	[tilespmem:s19+$0xFFFFFF50] =	vst v2;
	v2 =	vmul.f32 v6, v5;
	v5 =	vld [tilespmem:s19+$0xFFFFFFC0]  }
0x7e: {  	[tilespmem:s19+$0xFFFFFF60] =	vst v4;
	v4 =	vmul.f32 v7, v3;
	v6 =	vld [tilespmem:s19+$0xFFFFFFD0]  }
0x7f: {  	[tilespmem:s19+$0xFFFFFF70] =	vst v2;
	v2 =	vmul.f32 v8, v3;
	v7 =	vld [tilespmem:s19+$0xFFFFFFE0]  }
0x80: {  	[tilespmem:s19+$0xFFFFFF80] =	vst v4;
	v4 =	vmul.f32 v9, v3;
	v8 =	vld [tilespmem:s19+$0xFFFFFFF0]  }
0x81: {  	[tilespmem:s19+$0xFFFFFF90] =	vst v2;
	v2 =	vmul.f32 v10, v3;
	v9 =	vld [tilespmem:s19+$0x0]  }
0x82: {  	[tilespmem:s19+$0xFFFFFFA0] =	vst v4;
	v4 =	vmul.f32 v5, v3;
	v5 =	vld [tilespmem:s19+$0x10]  }
0x83: {  	[tilespmem:s19+$0xFFFFFFB0] =	vst v2;
	v2 =	vmul.f32 v6, v3;
	v6 =	vld [tilespmem:s19+$0x20]  }
0x84: {  	[tilespmem:s19+$0xFFFFFFC0] =	vst v4;
	v4 =	vmul.f32 v7, v3;
	v10 =	vld [tilespmem:s19+$0x30]  }
0x85: {  	[tilespmem:s19+$0xFFFFFFD0] =	vst v2;
	v2 =	vmul.f32 v8, v3;
	v8 =	vld [tilespmem:s19+$0x40]  }
.Ltmp2:
0x86: {  	[tilespmem:s19+$0xFFFFFFE0] =	vst v4;
	v4 =	vmul.f32 v9, v1;
	v3 =	vld [tilespmem:s19+$0x50];
	(pc) =	sbr.rel @p1 .LBB2_5-.Ltmp2, $4  }
0x87: {  	[tilespmem:s19+$0xFFFFFFF0] =	vst v2;
	v5 =	vmul.f32 v5, v1;
	v2 =	vld [tilespmem:s19+$0x60]  }
0x88: {  	s4 =	sadd.s32 $0x3, s17;
	v9 =	vmov s17;
	[tilespmem:s19+$0x0] =	vst v4;
	v12 =	vmul.f32 v6, v1;
	v7 =	vld [tilespmem:s19+$0x80]  }
0x89: {  	s25 =	sadd.s32 $0x1, s17;
	v11 =	vand.u32 $0xFFFFFFFC, v9;
	v4 =	vmov s4;
	[tilespmem:s19+$0x10] =	vst v5;
	v9 =	vmul.f32 v10, v1;
	v6 =	vld [tilespmem:s19+$0x90]  }
0x8a: {  	s4 =	sadd.s32 $0x2, s17;
	s17 =	sadd.s32 $0x4, s17;
	v5 =	vbroadcast v11, $0x0;
	v11 =	vmov s25;
	[tilespmem:s19+$0x20] =	vst v12;
	v10 =	vmul.f32 v8, v1;
	v8 =	vld [tilespmem:s19+$0xA0]  }
0x8b: {  	v12 =	vld [tilespmem:s19+$0xB0]  }
0x8c: {  	v14 =	vld [tilespmem:s19+$0xC0]  }
0x8d: {  	v13 =	vmov s4;
	v15 =	vld [tilespmem:s19+$0xD0]  }
0x8e: {  	v16 =	vld [tilespmem:s19+$0xE0];
	[tilespmem:s19+$0x30] =	vst v9;
	v3 =	vmul.f32 v3, v1;
	v13 =	vand.u32 $0xFFFFFFFE, v13  }
0x8f: {  	v11 =	vand.u32 $0xFFFFFFFD, v11;
	v4 =	vld.idx.msk [tilespmem:v4+s24+$0x0], $0xffff;
	[tilespmem:s19+$0x40] =	vst v10;
	v1 =	vmul.f32 v2, v1;
	v13 =	vbroadcast v13, $0x0  }
0x90: {  	s17 =	sadd.s32 $0x200, s19;
	v11 =	vbroadcast v11, $0x0;
	v2 =	vld.idx.msk [tilespmem:v5+s24+$0x0], $0xffff;
	v7 =	vmul.f32 v7, v0;
	[tilespmem:s19+$0x50] =	vst v3  }
0x91: {  	v9 =	vld [tilespmem:s17+$0xFFFFFF00];
	v3 =	vmul.f32 v6, v0;
	[tilespmem:s19+$0x60] =	vst v1  }
0x92: {  	[tilespmem:s19+$0x80] =	vst v7;
	v7 =	vld [tilespmem:s19+$0xF0];
	v1 =	vmul.f32 v8, v0  }
0x93: {  	v10 =	vld [tilespmem:s17+$0xFFFFFF10];
	[tilespmem:s19+$0x90] =	vst v3;
	v3 =	vmul.f32 v12, v0  }
0x94: {  	v8 =	vld [tilespmem:s17+$0x70];
	[tilespmem:s19+$0xA0] =	vst v1;
	v1 =	vmul.f32 v14, v0  }
0x95: {  	[tilespmem:s19+$0xB0] =	vst v3;
	v3 =	vmul.f32 v15, v0;
	v6 =	vld.idx.msk [tilespmem:v13+s24+$0x0], $0xffff  }
0x96: {  	v5 =	vld.idx.msk [tilespmem:v11+s24+$0x0], $0xffff;
	[tilespmem:s29+$0xC0] =	vst v1;
	v1 =	vmul.f32 v16, v0  }
0x97: {  	v11 =	vld [tilespmem:s17+$0xFFFFFF20];
	[tilespmem:s29+$0xD0] =	vst v3;
	v0 =	vmul.f32 v7, v0  }
0x98: {  	v3 =	vld [tilespmem:s17+$0xFFFFFF30];
	[tilespmem:s29+$0xE0] =	vst v1  }
0x99: {  	v1 =	vld [tilespmem:s17+$0xFFFFFF40];
	[tilespmem:s29+$0xF0] =	vst v0;
	v0 =	vmul.f32 v9, v2  }
0x9a: {  	v7 =	vmul.f32 v8, v6;
	v8 =	vld [tilespmem:s17+$0xFFFFFF50]  }
0x9b: {  	v9 =	vmul.f32 v10, v2;
	v10 =	vld [tilespmem:s17+$0xFFFFFF60];
	[tilespmem:s17+$0xFFFFFF00] =	vst v0  }
0x9c: {  	v0 =	vmul.f32 v11, v2;
	[tilespmem:s17+$0x70] =	vst v7;
	v7 =	vld [tilespmem:s17+$0xFFFFFF70]  }
0x9d: {  	[tilespmem:s17+$0xFFFFFF10] =	vst v9;
	v9 =	vld [tilespmem:s17+$0xFFFFFF80];
	v3 =	vmul.f32 v3, v2  }
0x9e: {  	[tilespmem:s17+$0xFFFFFF20] =	vst v0;
	v0 =	vmul.f32 v1, v2;
	v1 =	vld [tilespmem:s17+$0xFFFFFF90]  }
0x9f: {  	[tilespmem:s17+$0xFFFFFF30] =	vst v3;
	v3 =	vmul.f32 v8, v2;
	v8 =	vld [tilespmem:s17+$0xFFFFFFA0]  }
0xa0: {  	[tilespmem:s17+$0xFFFFFF40] =	vst v0;
	v0 =	vmul.f32 v10, v2;
	v10 =	vld [tilespmem:s17+$0xFFFFFFB0]  }
0xa1: {  	[tilespmem:s17+$0xFFFFFF50] =	vst v3;
	v2 =	vmul.f32 v7, v2;
	v3 =	vld [tilespmem:s17+$0xFFFFFFC0]  }
0xa2: {  	[tilespmem:s17+$0xFFFFFF60] =	vst v0;
	v0 =	vmul.f32 v9, v5;
	v7 =	vld [tilespmem:s17+$0xFFFFFFD0]  }
0xa3: {  	v1 =	vmul.f32 v1, v5;
	[tilespmem:s17+$0xFFFFFF70] =	vst v2;
	v2 =	vld [tilespmem:s17+$0xFFFFFFE0]  }
0xa4: {  	[tilespmem:s17+$0xFFFFFF80] =	vst v0;
	v0 =	vmul.f32 v8, v5;
	v8 =	vld [tilespmem:s17+$0xFFFFFFF0]  }
0xa5: {  	v9 =	vld [tilespmem:s17+$0x0];
	[tilespmem:s17+$0xFFFFFF90] =	vst v1;
	v1 =	vmul.f32 v10, v5  }
0xa6: {  	[tilespmem:s17+$0xFFFFFFA0] =	vst v0;
	v0 =	vmul.f32 v3, v5;
	v3 =	vld [tilespmem:s17+$0x10]  }
0xa7: {  	[tilespmem:s17+$0xFFFFFFB0] =	vst v1;
	v1 =	vmul.f32 v7, v5;
	v7 =	vld [tilespmem:s17+$0x20]  }
0xa8: {  	[tilespmem:s17+$0xFFFFFFC0] =	vst v0;
	v0 =	vmul.f32 v2, v5;
	v2 =	vld [tilespmem:s17+$0x30]  }
0xa9: {  	[tilespmem:s17+$0xFFFFFFD0] =	vst v1;
	v1 =	vmul.f32 v8, v5;
	v5 =	vld [tilespmem:s17+$0x40]  }
0xaa: {  	v8 =	vld [tilespmem:s17+$0x50];
	[tilespmem:s17+$0xFFFFFFE0] =	vst v0;
	v0 =	vmul.f32 v9, v6  }
0xab: {  	[tilespmem:s17+$0xFFFFFFF0] =	vst v1;
	v1 =	vmul.f32 v3, v6;
	v3 =	vld [tilespmem:s17+$0x60]  }
0xac: {  	[tilespmem:s17+$0x0] =	vst v0;
	v0 =	vmul.f32 v7, v6;
	v7 =	vld [tilespmem:s17+$0x80]  }
0xad: {  	[tilespmem:s17+$0x10] =	vst v1;
	v1 =	vmul.f32 v2, v6;
	v2 =	vld [tilespmem:s17+$0x90]  }
0xae: {  	[tilespmem:s17+$0x20] =	vst v0;
	v0 =	vmul.f32 v5, v6;
	v5 =	vld [tilespmem:s17+$0xA0]  }
0xaf: {  	[tilespmem:s17+$0x30] =	vst v1;
	v1 =	vmul.f32 v8, v6;
	v8 =	vld [tilespmem:s17+$0xB0]  }
0xb0: {  	[tilespmem:s17+$0x40] =	vst v0;
	v0 =	vmul.f32 v3, v6;
	v3 =	vld [tilespmem:s17+$0xC0]  }
0xb1: {  	v6 =	vld [tilespmem:s17+$0xD0];
	[tilespmem:s17+$0x50] =	vst v1;
	v1 =	vmul.f32 v7, v4  }
0xb2: {  	[tilespmem:s17+$0x60] =	vst v0;
	v0 =	vmul.f32 v2, v4;
	v2 =	vld [tilespmem:s17+$0xE0]  }
0xb3: {  	[tilespmem:s17+$0x80] =	vst v1;
	v1 =	vmul.f32 v5, v4;
	v5 =	vld [tilespmem:s17+$0xF0]  }
0xb4: {  	[tilespmem:s17+$0x90] =	vst v0;
	v0 =	vmul.f32 v8, v4  }
0xb5: {  	[tilespmem:s17+$0xA0] =	vst v1;
	v1 =	vmul.f32 v3, v4  }
0xb6: {  	[tilespmem:s17+$0xB0] =	vst v0;
	v0 =	vmul.f32 v6, v4  }
0xb7: {  	[tilespmem:s17+$0xC0] =	vst v1;
	v1 =	vmul.f32 v2, v4  }
0xb8: {  	[tilespmem:s17+$0xD0] =	vst v0;
	v0 =	vmul.f32 v5, v4  }
0xb9: {  	[tilespmem:s17+$0xE0] =	vst v1  }
0xba: {  	s4 =	sadd.s32 $0x2, s8;
	p1 =	seq.s32 s20, $0x27;
	[tilespmem:s17+$0xF0] =	vst v0  }
0xbb: {  	s4 =	sadd.s32 @!p1 s11, s4;
	_ =	swait.ge [sflag:s23], $0x80  }
0xbc: {  	s4 =	sshll.u32 @!p1 s4, $0x4;
	[sflag:s23] =	ssyncset.done $0x0  }
0xbd: {  	s4 =	sand.u32 @!p1 $0x1FFFFFE0, s4;
	[sflag:s23] =	ssyncadd.s32 $0xFFFFFF80  }
0xbe: {  	[spmem:s3] =	stream.indirect.scatter.add.f32 [tilespmem:s31], [sflag:$0x4], $0x80, s28, s30, $0xb8;
	[tilespmem:$0x1BB80] =	vst v63  }
0xbf: {  	s25 =	simm.s32 @!p1 $0x13880;
	s19 =	simm.s32 @!p1 $0x0;
	s17 =	sadd.s32 @!p1 s5, s4  }
0xc0: {  	[tilespmem:s25], [sflag:$0x6] =	stream.linear.gather @!p1 [hbm4b:s17+s19], $0x80, $0x38;
	[tilespmem:$0x1BB80] =	vst v63  }
0xc1: {  	s29 =	simm.s32 @!p1 $0x13A80;
	s17 =	sadd.s32 @!p1 s7, s4  }
0xc2: {  	[tilespmem:s29], [sflag:$0x6] =	stream.linear.gather @!p1 [hbm4b:s17+s19], $0x80, $0x38;
	[tilespmem:$0x1BB80] =	vst v63  }
0xc3: {  	_ =	swait.ge [sflag:s12], $0x4000  }
0xc4: {  	[sflag:s12] =	ssyncset.done $0x0  }
0xc5: {  	[sflag:s12] =	ssyncadd.s32 $0xFFFFC000  }
0xc6: {  	_ =	swait.ge [sflag:s13], $0x4000  }
0xc7: {  	[sflag:s13] =	ssyncset.done $0x0  }
0xc8: {  	s4 =	sadd.s32 @!p1 s6, s4;
	s17 =	simm.s32 @!p1 $0x13980;
	[sflag:s13] =	ssyncadd.s32 $0xFFFFC000  }
0xc9: {  	[tilespmem:s17], [sflag:$0x8] =	stream.linear.gather @!p1 [hbm4b:s4+s19], $0x80, $0x38;
	[tilespmem:$0x1BB80] =	vst v63  }
0xca: {  	s17 =	simm.s32 @!p1 $0x6  }
0xcb: {  	_ =	swait.ge @!p1 [sflag:s17], $0x80  }
0xcc: {  	[sflag:s17] =	ssyncset.done @!p1 $0x0  }
0xcd: {  	s19 =	simm.s32 $0x0;
	[sflag:s17] =	ssyncadd.s32 @!p1 $0xFFFFFF80  }
0xce: {  	v0 =	vmov s19;
	s19 =	simm.s32 $0x2;
	_ =	swait.ge @!p1 [sflag:s17], $0x80  }
0xcf: {  	s4 =	simm.s32 @!p1 $0x80;
	v0 =	vand.u32 $0xFFFFFFFC, v0;
	v1 =	vmov s19;
	[sflag:s17] =	ssyncset.done @!p1 $0x0  }
0xd0: {  	s19 =	simm.s32 $0x17C80;
	v0 =	vbroadcast v0, $0x0;
	v1 =	vand.u32 $0xFFFFFFFE, v1;
	[sflag:s17] =	ssyncadd.s32 @!p1 $0xFFFFFF80;
	s17 =	simm.s32 @!p1 $0x13B80  }
0xd1: {  	v1 =	vbroadcast v1, $0x0;
	[tilespmem:s17], [sflag:$0x2] =	stream.indirect.gather @!p1 [hbm4b:s2+s4], $0x80, s25, s4, $0xb8;
	[tilespmem:$0x1BB80] =	vst v63  }
0xd2: {  	v3 =	vld [tilespmem:s19+$0x70]  }
0xd3: {  	v4 =	vld [tilespmem:s19+$0xFFFFFF00]  }
0xd4: {  	s25 =	simm.s32 $0x1;
	v5 =	vld [tilespmem:s19+$0xFFFFFF10]  }
0xd5: {  	v2 =	vmov s25;
	v6 =	vld [tilespmem:s19+$0xFFFFFF20]  }
0xd6: {  	v0 =	vld.idx.msk [tilespmem:v0+s26+$0x0], $0xffff;
	v2 =	vand.u32 $0xFFFFFFFD, v2  }
0xd7: {  	v1 =	vld.idx.msk [tilespmem:v1+s26+$0x0], $0xffff;
	v2 =	vbroadcast v2, $0x0  }
0xd8: {  	v7 =	vld [tilespmem:s19+$0xFFFFFF30]  }
0xd9: {  	v8 =	vld [tilespmem:s19+$0xFFFFFF40]  }
0xda: {  	v9 =	vld [tilespmem:s19+$0xFFFFFF50]  }
0xdb: {  	v10 =	vld [tilespmem:s19+$0xFFFFFF60];
	v4 =	vmul.f32 v4, v0  }
0xdc: {  	v63 =	vld [tilespmem:s19+$0x40];
	v3 =	vmul.f32 v3, v1  }
0xdd: {  	v2 =	vld.idx.msk [tilespmem:v2+s26+$0x0], $0xffff;
	[tilespmem:s19+$0xFFFFFF00] =	vst v4;
	v4 =	vmul.f32 v5, v0  }
0xde: {  	v5 =	vld [tilespmem:s19+$0xFFFFFF70];
	[tilespmem:s19+$0x70] =	vst v3;
	v3 =	vmul.f32 v6, v0  }
0xdf: {  	v6 =	vld [tilespmem:s19+$0xFFFFFF80];
	[tilespmem:s19+$0xFFFFFF10] =	vst v4;
	v4 =	vmul.f32 v7, v0  }
0xe0: {  	v7 =	vld [tilespmem:s19+$0xFFFFFF90];
	[tilespmem:s19+$0xFFFFFF20] =	vst v3;
	v3 =	vmul.f32 v8, v0  }
0xe1: {  	v8 =	vld [tilespmem:s19+$0xFFFFFFA0];
	[tilespmem:s19+$0xFFFFFF30] =	vst v4;
	v4 =	vmul.f32 v9, v0  }
0xe2: {  	v9 =	vld [tilespmem:s19+$0xFFFFFFB0];
	[tilespmem:s19+$0xFFFFFF40] =	vst v3;
	v3 =	vmul.f32 v10, v0  }
0xe3: {  	v10 =	vld [tilespmem:s19+$0xFFFFFFC0];
	v5 =	vmul.f32 v5, v0;
	[tilespmem:s19+$0xFFFFFF50] =	vst v4  }
0xe4: {  	v4 =	vmul.f32 v6, v2;
	v6 =	vld [tilespmem:s19+$0xFFFFFFD0];
	[tilespmem:s19+$0xFFFFFF60] =	vst v3  }
0xe5: {  	s17 =	simm.s32 $0x3;
	v3 =	vld [tilespmem:s19+$0xFFFFFFE0];
	v7 =	vmul.f32 v7, v2;
	[tilespmem:s19+$0xFFFFFF70] =	vst v5  }
0xe6: {  	v11 =	vmov s17;
	v5 =	vld [tilespmem:s19+$0xFFFFFFF0];
	[tilespmem:s19+$0xFFFFFF80] =	vst v4;
	v4 =	vmul.f32 v8, v2  }
0xe7: {  	v8 =	vld [tilespmem:s19+$0x0];
	[tilespmem:s19+$0xFFFFFF90] =	vst v7;
	v7 =	vmul.f32 v9, v2  }
0xe8: {  	v9 =	vld [tilespmem:s19+$0x10];
	[tilespmem:s19+$0xFFFFFFA0] =	vst v4;
	v4 =	vmul.f32 v10, v2  }
0xe9: {  	[tilespmem:s19+$0xFFFFFFB0] =	vst v7;
	v6 =	vmul.f32 v6, v2;
	v7 =	vld [tilespmem:s19+$0x20]  }
0xea: {  	v10 =	vld [tilespmem:s19+$0x30];
	[tilespmem:s19+$0xFFFFFFC0] =	vst v4;
	v3 =	vmul.f32 v3, v2  }
0xeb: {  	v0 =	vld.idx.msk [tilespmem:v11+s26+$0x0], $0xffff;
	v2 =	vmul.f32 v5, v2;
	[tilespmem:s19+$0xFFFFFFD0] =	vst v6  }
0xec: {  	v4 =	vmul.f32 v8, v1;
	[tilespmem:s19+$0xFFFFFFE0] =	vst v3;
	v3 =	vld [tilespmem:s19+$0x50]  }
0xed: {  	s25 =	simm.s32 $0x4;
	[tilespmem:s19+$0xFFFFFFF0] =	vst v2;
	v5 =	vmul.f32 v9, v1;
	v2 =	vld [tilespmem:s19+$0x60]  }
0xee: {  	s17 =	simm.s32 $0x7;
	v6 =	vmov s25;
	[tilespmem:s19+$0x0] =	vst v4;
	v8 =	vmul.f32 v7, v1;
	v7 =	vld [tilespmem:s19+$0x80]  }
0xef: {  	s20 =	sadd.s32 $0x1, s20;
	s25 =	simm.s32 $0x5;
	v11 =	vand.u32 $0xFFFFFFFC, v6;
	v6 =	vld [tilespmem:s19+$0x90];
	v4 =	vmov s17;
	v9 =	vmul.f32 v10, v1;
	[tilespmem:s19+$0x10] =	vst v5  }
0xf0: {  	s29 =	simm.s32 $0x17C80;
	s4 =	simm.s32 $0x6;
	s17 =	simm.s32 $0x8;
	v10 =	vmul.f32 v63, v1;
	v5 =	vbroadcast v11, $0x0;
	v11 =	vmov s25;
	[tilespmem:s19+$0x20] =	vst v8;
	v8 =	vld [tilespmem:s19+$0xA0]  }
.LBB2_7:
0xf1: {  	p2 =	slt.u32 s17, $0x7C;
	v11 =	vand.u32 $0xFFFFFFFD, v11;
	v12 =	vmov s4;
	[tilespmem:s19+$0x30] =	vst v9;
	v3 =	vmul.f32 v3, v1;
	v9 =	vld [tilespmem:s19+$0xB0]  }
0xf2: {  	v11 =	vbroadcast v11, $0x0;
	v12 =	vand.u32 $0xFFFFFFFE, v12;
	[tilespmem:s19+$0x40] =	vst v10;
	v1 =	vmul.f32 v2, v1;
	v2 =	vld [tilespmem:s19+$0xC0]  }
0xf3: {  	v10 =	vbroadcast v12, $0x0;
	[tilespmem:s19+$0x50] =	vst v3;
	v3 =	vmul.f32 v7, v0;
	v7 =	vld [tilespmem:s19+$0xD0]  }
0xf4: {  	[tilespmem:s19+$0x60] =	vst v1;
	v1 =	vmul.f32 v6, v0;
	v6 =	vld [tilespmem:s19+$0xE0]  }
0xf5: {  	[tilespmem:s19+$0x80] =	vst v3;
	v3 =	vmul.f32 v8, v0;
	v8 =	vld [tilespmem:s19+$0xF0]  }
0xf6: {  	v4 =	vld.idx.msk [tilespmem:v4+s26+$0x0], $0xffff;
	[tilespmem:s19+$0x90] =	vst v1;
	v1 =	vmul.f32 v9, v0  }
0xf7: {  	v5 =	vld.idx.msk [tilespmem:v5+s26+$0x0], $0xffff;
	[tilespmem:s19+$0xA0] =	vst v3;
	v2 =	vmul.f32 v2, v0  }
0xf8: {  	v3 =	vld.idx.msk [tilespmem:v11+s26+$0x0], $0xffff;
	[tilespmem:s19+$0xB0] =	vst v1;
	v7 =	vmul.f32 v7, v0  }
0xf9: {  	s19 =	sadd.s32 $0x200, s19;
	v1 =	vld.idx.msk [tilespmem:v10+s26+$0x0], $0xffff;
	[tilespmem:s29+$0xC0] =	vst v2;
	v2 =	vmul.f32 v6, v0  }
0xfa: {  	v6 =	vld [tilespmem:s19+$0x70];
	[tilespmem:s29+$0xD0] =	vst v7;
	v8 =	vmul.f32 v8, v0  }
0xfb: {  	v7 =	vld [tilespmem:s19+$0xFFFFFF00];
	[tilespmem:s29+$0xE0] =	vst v2  }
0xfc: {  	v0 =	vmov v4;
	v2 =	vld [tilespmem:s19+$0xFFFFFF10];
	[tilespmem:s29+$0xF0] =	vst v8;
	s29 =	smov.u32 s19  }
0xfd: {  	v4 =	vld [tilespmem:s19+$0xFFFFFF20]  }
0xfe: {  	v8 =	vld [tilespmem:s19+$0xFFFFFF30]  }
0xff: {  	v9 =	vld [tilespmem:s19+$0xFFFFFF40];
	v6 =	vmul.f32 v6, v1  }
0x100: {  	v7 =	vmul.f32 v7, v5;
	v10 =	vld [tilespmem:s19+$0xFFFFFF50]  }
0x101: {  	v2 =	vmul.f32 v2, v5;
	v11 =	vld [tilespmem:s19+$0xFFFFFF60];
	[tilespmem:s19+$0x70] =	vst v6  }
0x102: {  	[tilespmem:s19+$0xFFFFFF00] =	vst v7;
	v4 =	vmul.f32 v4, v5;
	v6 =	vld [tilespmem:s19+$0xFFFFFF70]  }
0x103: {  	[tilespmem:s19+$0xFFFFFF10] =	vst v2;
	v2 =	vmul.f32 v8, v5;
	v7 =	vld [tilespmem:s19+$0xFFFFFF80]  }
0x104: {  	[tilespmem:s19+$0xFFFFFF20] =	vst v4;
	v4 =	vmul.f32 v9, v5;
	v8 =	vld [tilespmem:s19+$0xFFFFFF90]  }
0x105: {  	[tilespmem:s19+$0xFFFFFF30] =	vst v2;
	v2 =	vmul.f32 v10, v5;
	v9 =	vld [tilespmem:s19+$0xFFFFFFA0]  }
0x106: {  	[tilespmem:s19+$0xFFFFFF40] =	vst v4;
	v4 =	vmul.f32 v11, v5;
	v10 =	vld [tilespmem:s19+$0xFFFFFFB0]  }
0x107: {  	[tilespmem:s19+$0xFFFFFF50] =	vst v2;
	v2 =	vmul.f32 v6, v5;
	v5 =	vld [tilespmem:s19+$0xFFFFFFC0]  }
0x108: {  	[tilespmem:s19+$0xFFFFFF60] =	vst v4;
	v4 =	vmul.f32 v7, v3;
	v6 =	vld [tilespmem:s19+$0xFFFFFFD0]  }
0x109: {  	[tilespmem:s19+$0xFFFFFF70] =	vst v2;
	v2 =	vmul.f32 v8, v3;
	v7 =	vld [tilespmem:s19+$0xFFFFFFE0]  }
0x10a: {  	[tilespmem:s19+$0xFFFFFF80] =	vst v4;
	v4 =	vmul.f32 v9, v3;
	v8 =	vld [tilespmem:s19+$0xFFFFFFF0]  }
0x10b: {  	[tilespmem:s19+$0xFFFFFF90] =	vst v2;
	v2 =	vmul.f32 v10, v3;
	v9 =	vld [tilespmem:s19+$0x0]  }
0x10c: {  	[tilespmem:s19+$0xFFFFFFA0] =	vst v4;
	v4 =	vmul.f32 v5, v3;
	v5 =	vld [tilespmem:s19+$0x10]  }
0x10d: {  	[tilespmem:s19+$0xFFFFFFB0] =	vst v2;
	v2 =	vmul.f32 v6, v3;
	v6 =	vld [tilespmem:s19+$0x20]  }
0x10e: {  	[tilespmem:s19+$0xFFFFFFC0] =	vst v4;
	v4 =	vmul.f32 v7, v3;
	v10 =	vld [tilespmem:s19+$0x30]  }
0x10f: {  	[tilespmem:s19+$0xFFFFFFD0] =	vst v2;
	v2 =	vmul.f32 v8, v3;
	v8 =	vld [tilespmem:s19+$0x40]  }
.Ltmp3:
0x110: {  	[tilespmem:s19+$0xFFFFFFE0] =	vst v4;
	v4 =	vmul.f32 v9, v1;
	v3 =	vld [tilespmem:s19+$0x50];
	(pc) =	sbr.rel @p2 .LBB2_7-.Ltmp3, $4  }
0x111: {  	[tilespmem:s19+$0xFFFFFFF0] =	vst v2;
	v5 =	vmul.f32 v5, v1;
	v2 =	vld [tilespmem:s19+$0x60]  }
0x112: {  	s4 =	sadd.s32 $0x3, s17;
	v9 =	vmov s17;
	[tilespmem:s19+$0x0] =	vst v4;
	v12 =	vmul.f32 v6, v1;
	v7 =	vld [tilespmem:s19+$0x80]  }
0x113: {  	s25 =	sadd.s32 $0x1, s17;
	v11 =	vand.u32 $0xFFFFFFFC, v9;
	v4 =	vmov s4;
	[tilespmem:s19+$0x10] =	vst v5;
	v9 =	vmul.f32 v10, v1;
	v6 =	vld [tilespmem:s19+$0x90]  }
0x114: {  	s4 =	sadd.s32 $0x2, s17;
	s17 =	sadd.s32 $0x4, s17;
	v5 =	vbroadcast v11, $0x0;
	v11 =	vmov s25;
	[tilespmem:s19+$0x20] =	vst v12;
	v10 =	vmul.f32 v8, v1;
	v8 =	vld [tilespmem:s19+$0xA0]  }
0x115: {  	v12 =	vld [tilespmem:s19+$0xB0]  }
0x116: {  	v14 =	vld [tilespmem:s19+$0xC0]  }
0x117: {  	v15 =	vld [tilespmem:s19+$0xD0]  }
0x118: {  	v16 =	vld [tilespmem:s19+$0xE0]  }
0x119: {  	v44 =	vld [tilespmem:s19+$0xF0];
	[tilespmem:s19+$0x30] =	vst v9;
	v3 =	vmul.f32 v3, v1  }
0x11a: {  	v4 =	vld.idx.msk [tilespmem:v4+s26+$0x0], $0xffff;
	[tilespmem:s19+$0x40] =	vst v10;
	v45 =	vmul.f32 v2, v1  }
0x11b: {  	s17 =	sadd.s32 $0x200, s19;
	v46 =	vld.idx.msk [tilespmem:v5+s26+$0x0], $0xffff;
	v7 =	vmul.f32 v7, v0;
	[tilespmem:s19+$0x50] =	vst v3  }
0x11c: {  	v51 =	vld [tilespmem:s17+$0x70];
	v47 =	vmul.f32 v6, v0;
	[tilespmem:s19+$0x60] =	vst v45  }
0x11d: {  	v53 =	vld [tilespmem:s17+$0xFFFFFF00];
	[tilespmem:s19+$0x80] =	vst v7;
	v49 =	vmul.f32 v8, v0  }
0x11e: {  	v55 =	vld [tilespmem:s17+$0xFFFFFF10];
	[tilespmem:s19+$0x90] =	vst v47;
	v50 =	vmul.f32 v12, v0  }
0x11f: {  	v11 =	vand.u32 $0xFFFFFFFD, v11;
	v57 =	vld [tilespmem:s17+$0xFFFFFF20];
	v52 =	vmul.f32 v14, v0;
	[tilespmem:s19+$0xA0] =	vst v49  }
0x120: {  	v11 =	vbroadcast v11, $0x0;
	v59 =	vld [tilespmem:s17+$0xFFFFFF30];
	v54 =	vmul.f32 v15, v0;
	[tilespmem:s19+$0xB0] =	vst v50  }
0x121: {  	v60 =	vld [tilespmem:s17+$0xFFFFFF40];
	v56 =	vmul.f32 v16, v0;
	[tilespmem:s29+$0xC0] =	vst v52  }
0x122: {  	v63 =	vld [tilespmem:s17+$0xFFFFFF50];
	v58 =	vmul.f32 v44, v0;
	[tilespmem:s29+$0xD0] =	vst v54  }
0x123: {  	v15 =	vld [tilespmem:s17+$0xFFFFFF70];
	v62 =	vmul.f32 v53, v46;
	[tilespmem:s29+$0xE0] =	vst v56  }
0x124: {  	v16 =	vld [tilespmem:s17+$0xFFFFFF80];
	v12 =	vmul.f32 v55, v46;
	[tilespmem:s29+$0xF0] =	vst v58  }
0x125: {  	v44 =	vld [tilespmem:s17+$0x80];
	v14 =	vmul.f32 v57, v46;
	[tilespmem:s17+$0xFFFFFF00] =	vst v62  }
0x126: {  	v3 =	vmul.f32 v59, v46;
	v48 =	vld.idx.msk [tilespmem:v11+s26+$0x0], $0xffff;
	[tilespmem:s17+$0xFFFFFF10] =	vst v12  }
0x127: {  	v13 =	vmov s4;
	v18 =	vld [tilespmem:s17+$0xFFFFFF90];
	v17 =	vmul.f32 v60, v46;
	[tilespmem:s17+$0xFFFFFF20] =	vst v14  }
0x128: {  	v13 =	vand.u32 $0xFFFFFFFE, v13;
	v20 =	vld [tilespmem:s17+$0xFFFFFFA0];
	v19 =	vmul.f32 v63, v46;
	[tilespmem:s17+$0xFFFFFF30] =	vst v3  }
0x129: {  	v22 =	vld [tilespmem:s17+$0xFFFFFFB0];
	v13 =	vbroadcast v13, $0x0;
	[tilespmem:s17+$0xFFFFFF40] =	vst v17;
	v2 =	vmul.f32 v15, v46  }
0x12a: {  	v23 =	vld [tilespmem:s17+$0xFFFFFFC0];
	[tilespmem:s17+$0xFFFFFF50] =	vst v19;
	v53 =	vmul.f32 v44, v4  }
0x12b: {  	v25 =	vld [tilespmem:s17+$0xFFFFFFD0];
	v24 =	vmul.f32 v16, v48;
	[tilespmem:s17+$0xFFFFFF70] =	vst v2  }
0x12c: {  	v26 =	vld [tilespmem:s17+$0xFFFFFFE0];
	v1 =	vmul.f32 v18, v48;
	[tilespmem:s17+$0x80] =	vst v53  }
0x12d: {  	v28 =	vld [tilespmem:s17+$0xFFFFFFF0];
	v27 =	vmul.f32 v20, v48;
	[tilespmem:s17+$0xFFFFFF80] =	vst v24  }
0x12e: {  	v50 =	vld [tilespmem:s17+$0xB0];
	v29 =	vmul.f32 v22, v48;
	[tilespmem:s17+$0xFFFFFF90] =	vst v1  }
0x12f: {  	v6 =	vld.idx.msk [tilespmem:v13+s26+$0x0], $0xffff;
	v31 =	vmul.f32 v23, v48;
	[tilespmem:s17+$0xFFFFFFA0] =	vst v27  }
0x130: {  	v13 =	vld [tilespmem:s17+$0xFFFFFF60];
	v33 =	vmul.f32 v25, v48;
	[tilespmem:s17+$0xFFFFFFB0] =	vst v29  }
0x131: {  	v30 =	vld [tilespmem:s17+$0x0];
	v35 =	vmul.f32 v26, v48;
	[tilespmem:s17+$0xFFFFFFC0] =	vst v31  }
0x132: {  	v32 =	vld [tilespmem:s17+$0x10];
	v37 =	vmul.f32 v28, v48;
	[tilespmem:s17+$0xFFFFFFD0] =	vst v33  }
0x133: {  	v34 =	vld [tilespmem:s17+$0x20];
	v59 =	vmul.f32 v50, v4;
	[tilespmem:s17+$0xFFFFFFE0] =	vst v35  }
0x134: {  	v36 =	vld [tilespmem:s17+$0x30];
	v61 =	vmul.f32 v51, v6;
	[tilespmem:s17+$0xFFFFFFF0] =	vst v37  }
0x135: {  	v38 =	vld [tilespmem:s17+$0x40];
	v21 =	vmul.f32 v13, v46;
	[tilespmem:s17+$0xB0] =	vst v59  }
0x136: {  	v40 =	vld [tilespmem:s17+$0x50];
	v39 =	vmul.f32 v30, v6;
	[tilespmem:s17+$0x70] =	vst v61  }
0x137: {  	v42 =	vld [tilespmem:s17+$0x60];
	v41 =	vmul.f32 v32, v6;
	[tilespmem:s17+$0xFFFFFF60] =	vst v21  }
0x138: {  	v52 =	vld [tilespmem:s17+$0xC0];
	v43 =	vmul.f32 v34, v6;
	[tilespmem:s17+$0x0] =	vst v39  }
0x139: {  	v56 =	vld [tilespmem:s17+$0xE0];
	v45 =	vmul.f32 v36, v6;
	[tilespmem:s17+$0x10] =	vst v41  }
0x13a: {  	v58 =	vld [tilespmem:s17+$0xF0];
	v47 =	vmul.f32 v38, v6;
	[tilespmem:s17+$0x20] =	vst v43  }
0x13b: {  	v54 =	vld [tilespmem:s17+$0xD0];
	v49 =	vmul.f32 v40, v6;
	[tilespmem:s17+$0x30] =	vst v45  }
0x13c: {  	v48 =	vld [tilespmem:s17+$0xA0];
	v51 =	vmul.f32 v42, v6;
	[tilespmem:s17+$0x40] =	vst v47  }
0x13d: {  	v46 =	vld [tilespmem:s17+$0x90];
	v60 =	vmul.f32 v52, v4;
	[tilespmem:s17+$0x50] =	vst v49  }
0x13e: {  	v62 =	vmul.f32 v56, v4;
	[tilespmem:s17+$0x60] =	vst v51  }
0x13f: {  	v63 =	vmul.f32 v58, v4;
	[tilespmem:s17+$0xC0] =	vst v60  }
0x140: {  	v61 =	vmul.f32 v54, v4;
	[tilespmem:s17+$0xE0] =	vst v62  }
0x141: {  	[tilespmem:s17+$0xF0] =	vst v63;
	v57 =	vmul.f32 v48, v4  }
0x142: {  	[tilespmem:s17+$0xD0] =	vst v61;
	v55 =	vmul.f32 v46, v4  }
0x143: {  	[tilespmem:s17+$0xA0] =	vst v57  }
0x144: {  	[tilespmem:s17+$0x90] =	vst v55  }
0x145: {  	s4 =	sadd.s32 @!p1 s8, s16;
	_ =	swait.ge [sflag:s14], $0x80  }
0x146: {  	s4 =	sshll.u32 @!p1 s4, $0x4;
	[sflag:s14] =	ssyncset.done $0x0  }
0x147: {  	s4 =	sand.u32 @!p1 $0x1FFFFFF0, s4;
	[sflag:s14] =	ssyncadd.s32 $0xFFFFFF80  }
0x148: {  	[spmem:s3] =	stream.indirect.scatter.add.f32 [tilespmem:s10], [sflag:$0x5], $0x80, s1, s30, $0xb8;
	[tilespmem:$0x1BB80] =	vst v63  }
0x149: {  	s8 =	sadd.s32 @!p1 s5, s4;
	s19 =	simm.s32 @!p1 $0x13900;
	s17 =	simm.s32 @!p1 $0x0  }
0x14a: {  	[tilespmem:s19], [sflag:$0x7] =	stream.linear.gather @!p1 [hbm4b:s8+s17], $0x80, $0x38;
	[tilespmem:$0x1BB80] =	vst v63  }
0x14b: {  	p2 =	sne.s32 @!p1 s20, $0x28;
	s4 =	sadd.s32 @!p1 s7, s4;
	s8 =	simm.s32 @!p1 $0x13B00  }
0x14c: {  	[tilespmem:s8], [sflag:$0x7] =	stream.linear.gather @!p1 [hbm4b:s4+s17], $0x80, $0x38;
	[tilespmem:$0x1BB80] =	vst v63  }
0x14d: {  	p1 =	por p1, !p2  }
.Ltmp4:
0x14e: {  	_ = 	snop;
	(pc) =	sbr.rel @!p1 .LBB2_4-.Ltmp4, $1  }
0x14f: {  	_ =	sdelay $0x3  }
0x150: {  	s4 =	simm.s32 $0x5  }
0x151: {  	_ =	swait.ge [sflag:s4], $0x4000  }
0x152: {  	[sflag:s4] =	ssyncset.done $0x0  }
0x153: {  	[sflag:s4] =	ssyncadd.s32 $0xFFFFC000  }
0x154: {  	[bflag:$0x0] =	sbarrier.arrive $0xFFFF  }
0x155: {  	s18 =	rddreg [dreg:$0xe]  }
0x156: {  	s29 =	rddreg [dreg:$0xf]  }
0x157: {  	[hbm:s18], [sflag:s21] =	dma.local [spmem:s29], $0x1900  }
.Ltmp5:
0x158: {  	_ = 	snop;
	(pc) =	sbr.rel @!p0 .LBB2_11-.Ltmp5, $4  }
0x159: {  	_ =	swait.ge [sflag:s22], $0x1900  }
0x15a: {  	s19 =	rddreg [dreg:$0x5]  }
0x15b: {  	s20 =	rddreg [dreg:$0xd]  }
0x15c: {  	[sflag:s22] =	ssyncset.done $0x0;
	s8 =	sadd.s32 $0xFFFFFFFF, s19;
	s17 =	sadd.s32 $0xC8000, s20  }
.LBB2_10:
0x15d: {  	s4 =	sshrl.u32 s17, $0x3  }
0x15e: {  	[sflag:s22] =	ssyncadd.s32 $0xFFFFE700;
	s18 =	sadd.s32 $0x19000, s18;
	p0 =	sne.s32 s8, $0x1  }
0x15f: {  	[hbm:s18], [sflag:s21] =	dma.local [spmem:s4], $0x1900  }
.Ltmp6:
0x160: {  	_ = 	snop;
	(pc) =	sbr.rel @p0 .LBB2_10-.Ltmp6, $4  }
0x161: {  	_ = 	snop  }
0x162: {  	s8 =	sadd.s32 $0xFFFFFFFF, s8  }
0x163: {  	_ =	swait.ge [sflag:s22], $0x1900  }
0x164: {  	s17 =	sadd.s32 $0xC8000, s17;
	[sflag:s22] =	ssyncset.done $0x0  }
.LBB2_11:
0x165: {  	s17 =	rddreg [dreg:$0x4]  }
0x166: {  	s4 =	rddreg [dreg:$0xb];
	s17 =	sadd.s32 $0x1, s17  }
0x167: {  	p0 =	sne.s32 s17, s4  }
.Ltmp7:
0x168: {  	_ = 	snop;
	(pc) =	sbr.rel @p0 .LBB2_1-.Ltmp7, $2  }
0x169: {  	_ =	sdelay $0x2  }
0x16a: {  	[sflag:s22] =	ssyncadd.s32 $0xFFFFE700  }
0x16b: {  	_ =	sfence.sel $0x180000  }
0x16c: {  	[bflag:$0x0] =	sbarrier.arrive $0xFFFF  }
0x16d: {  	_ =	strace $0x9000004A  }
0x16e: {  	s0 =	stileid.u32;
	[bflag:$0x2] =	sbarrier.arrive $0xFFFF  }
0x16f: {  	p0 =	sne.s32 s0, $0x0;
	s0 =	rddreg [dreg:$0x3]  }
0x170: {  	s0 =	sadd.s32 @!p0 $0x100000, s0  }
0x171: {  	[sflag:s0] =	ssyncadd.tile.s32 @!p0 $0x1;
	_ =	shalt  }
.Lfunc_end2:
_tile_overlayer_lowered:
.L_overlay_start_2:
0x172: {  	(tag) =	ssettag $0x2  }
0x173: {  	s0 =	rddreg [dreg:$0x0];
	s2 =	stileid.u32  }
0x174: {  	s1 =	rddreg [dreg:$0x1];
	p0 =	sne.s32 s2, $0x0  }
0x175: {  	s3 =	rddreg [dreg:$0x2];
	[bflag:$0x3] =	sbarrier.arrive $0xFFFF;
	s2 =	simm.s32 @!p0 $0x1C0A  }
0x176: {  	[timem:s3], [sflag:s2] =	dma.local @!p0 [hbm:s0], s1  }
0x177: {  	s0 =	simm.s32 @!p0 $0xA  }
0x178: {  	_ =	swait.ge @!p0 [sflag:s0], s1  }
0x179: {  	s1 =	ssub.s32 @!p0 $0x0, s1;
	[sflag:s0] =	ssyncset.done @!p0 $0x0  }
0x17a: {  	[sflag:s0] =	ssyncadd.s32 @!p0 s1  }
0x17b: {  	[bflag:$0x3] =	sbarrier.arrive $0xFFFF  }
0x17c: {  	_ =	shalt  }

</sc_bundles>
